<compile_context>
chip_gen: v7x
topology: tpu7x:2x2x1
jax: 0.10.2.dev20260603
libtpu: 0.0.44.dev20260713+nightly
codegen_flags: <defaults>
</compile_context>

<pallas_src>
import functools

import jax
import jax.numpy as jnp
from jax import lax
from jax.experimental import pallas as pl
from jax.experimental.pallas import tpu as pltpu
from jax.experimental.pallas import tpu_sc as plsc

_NC = 2
_NS = 16
_L = 16


def _sc_gather_sum(data_flat, table, B, W):
    S = W - 2
    V, D = table.shape
    NW = _NC * _NS
    BPW = B // NW
    G = 4
    GW = G * W
    NG = BPW // G
    NCH = (GW + 127) // 128

    CHUNKS = [(c * 128, min(128, GW - c * 128)) for c in range(NCH)]

    mesh = plsc.VectorSubcoreMesh(core_axis_name="c", subcore_axis_name="s")

    @functools.partial(
        pl.kernel,
        out_type=jax.ShapeDtypeStruct((B, D), jnp.float32),
        mesh=mesh,
        scratch_types=[
            pltpu.VMEM((GW,), jnp.int32),
            pltpu.VMEM((GW,), jnp.int32),
            pltpu.VMEM((GW, D), jnp.float32),
            pltpu.VMEM((GW, D), jnp.float32),
            pltpu.VMEM((BPW, D), jnp.float32),
            pltpu.SemaphoreType.DMA,
            pltpu.SemaphoreType.DMA,
            pltpu.SemaphoreType.DMA,
            pltpu.SemaphoreType.DMA,
        ],
        compiler_params=pltpu.CompilerParams(use_tc_tiling_on_sc=False),
    )
    def sc_kernel(data_hbm, table_hbm, out_hbm, dbuf0, dbuf1, rows0, rows1,
                  outbuf, gsem0, gsem1, dsem0, dsem1):
        wid = lax.axis_index("s") * _NC + lax.axis_index("c")
        base = wid * BPW

        def fetch(g, dbuf, dsem):
            gc = jnp.minimum(g, NG - 1)
            off = (base + gc * G) * W
            return pltpu.async_copy(data_hbm.at[pl.ds(off, GW)], dbuf, dsem)

        def launch_gathers(dbuf, rows, gsem):
            for cs, cl in CHUNKS:
                pltpu.async_copy(table_hbm.at[dbuf.at[pl.ds(cs, cl)]],
                                 rows.at[pl.ds(cs, cl)], gsem)

        def drain_gathers(dbuf, rows, gsem):
            for cs, cl in CHUNKS:
                pltpu.make_async_copy(table_hbm.at[dbuf.at[pl.ds(cs, cl)]],
                                      rows.at[pl.ds(cs, cl)], gsem).wait()

        def drain_fetch(g, dbuf, dsem):
            gc = jnp.minimum(g, NG - 1)
            off = (base + gc * G) * W
            pltpu.make_async_copy(data_hbm.at[pl.ds(off, GW)], dbuf,
                                  dsem).wait()

        def accumulate(g, rows):
            for j in range(G):
                jo = j * W

                def acc_step(k, carry, jo=jo):
                    a0, b0, a1, b1, a2, b2, a3, b3 = carry
                    t = jo + k * 4
                    a0 = a0 + rows[t, pl.ds(0, _L)]
                    b0 = b0 + rows[t, pl.ds(_L, _L)]
                    a1 = a1 + rows[t + 1, pl.ds(0, _L)]
                    b1 = b1 + rows[t + 1, pl.ds(_L, _L)]
                    a2 = a2 + rows[t + 2, pl.ds(0, _L)]
                    b2 = b2 + rows[t + 2, pl.ds(_L, _L)]
                    a3 = a3 + rows[t + 3, pl.ds(0, _L)]
                    b3 = b3 + rows[t + 3, pl.ds(_L, _L)]
                    return a0, b0, a1, b1, a2, b2, a3, b3

                z = jnp.zeros((_L,), jnp.float32)
                a0, b0, a1, b1, a2, b2, a3, b3 = plsc.parallel_loop(
                    0, S // 4, 1, unroll=2,
                    carry=(z, z, z, z, z, z, z, z))(acc_step)
                outbuf[g * G + j, pl.ds(0, _L)] = (a0 + a1) + (a2 + a3)
                outbuf[g * G + j, pl.ds(_L, _L)] = (b0 + b1) + (b2 + b3)

        fetch(0, dbuf0, dsem0).wait()
        launch_gathers(dbuf0, rows0, gsem0)
        fetch(1, dbuf1, dsem1)

        def pair_step(p, _):
            g0 = 2 * p
            drain_gathers(dbuf0, rows0, gsem0)
            fetch(g0 + 2, dbuf0, dsem0)
            drain_fetch(g0 + 1, dbuf1, dsem1)
            launch_gathers(dbuf1, rows1, gsem1)
            accumulate(g0, rows0)

            drain_gathers(dbuf1, rows1, gsem1)
            fetch(g0 + 3, dbuf1, dsem1)
            drain_fetch(g0 + 2, dbuf0, dsem0)
            launch_gathers(dbuf0, rows0, gsem0)
            accumulate(g0 + 1, rows1)
            return 0

        lax.fori_loop(0, NG // 2, pair_step, 0)
        drain_gathers(dbuf0, rows0, gsem0)
        drain_fetch(NG + 1, dbuf1, dsem1)
        pltpu.sync_copy(outbuf, out_hbm.at[pl.ds(base, BPW)])

    return sc_kernel(data_flat, table)


def _tc_count(data, S):
    B = data.shape[0]

    def body(data_ref, cnt_ref):
        tokens = data_ref[:, :S]
        cnt_ref[...] = jnp.sum((tokens == 1).astype(jnp.float32), axis=1,
                               keepdims=True)

    return pl.pallas_call(
        body,
        out_shape=jax.ShapeDtypeStruct((B, 1), jnp.float32),
    )(data)


def _tc_head(sums_t, cnt_t, lens_t, labels_t, t1_t):
    D, B = sums_t.shape

    def head(sums_ref, cnt_ref, lens_ref, labels_ref, t1_ref, loss_ref,
             acc_ref):
        y = labels_ref[...]
        pooled = ((sums_ref[...] - t1_ref[...] * cnt_ref[...])
                  / lens_ref[...].astype(jnp.float32))
        row = lax.broadcasted_iota(jnp.int32, (D, B), 0)
        m = jnp.max(pooled, axis=0, keepdims=True)
        se = jnp.sum(jnp.exp(pooled - m), axis=0, keepdims=True)
        log_z = m + jnp.log(se)
        p_y = jnp.sum(jnp.where(row == y, pooled, 0.0), axis=0, keepdims=True)
        loss_ref[0, 0] = jnp.mean(log_z - p_y)
        pred = jnp.min(jnp.where(pooled == m, row, D), axis=0, keepdims=True)
        acc_ref[0, 0] = jnp.mean((pred == y).astype(jnp.float32))

    loss, acc = pl.pallas_call(
        head,
        out_shape=[
            jax.ShapeDtypeStruct((1, 1), jnp.float32),
            jax.ShapeDtypeStruct((1, 1), jnp.float32),
        ],
        out_specs=[
            pl.BlockSpec(memory_space=pltpu.SMEM),
            pl.BlockSpec(memory_space=pltpu.SMEM),
        ],
    )(sums_t, cnt_t, lens_t, labels_t, t1_t)
    return loss[0, 0], acc[0, 0]


def kernel(data, table, sent_maxlen):
    B, W = data.shape
    S = W - 2
    cnt = _tc_count(data, S)
    sums = _sc_gather_sum(data.reshape(-1), table, B, W)
    lens_t = data[:, S:S + 1].T
    labels_t = data[:, S + 1:S + 2].T
    return _tc_head(sums.T, cnt.T, lens_t, labels_t, table[1:2, :].T)

# --- scband reference (transcript-rebuilt; emitter-appended) ---
"""Pipeline reference for scband-proto-5368709120311 (READ-ONLY COPY).

The authoritative reference and input builder live on the scoring server;
editing this copy changes nothing except your own understanding.
"""

import jax, jax.numpy as jnp
import numpy as np

VOCAB = 1000000
DIM = 32
B = 16384
MAXLEN = 200

def setup_inputs(seed: int = 0) -> dict:
    key = jax.random.key(seed)
    k1, k2, k3, k4 = jax.random.split(key, 4)
    tokens = jax.random.randint(k1, (B, MAXLEN), 0, VOCAB, dtype=jnp.int32)
    lengths = jax.random.randint(k2, (B, 1), 1, MAXLEN + 1, dtype=jnp.int32)
    labels = jax.random.randint(k3, (B, 1), 0, DIM, dtype=jnp.int32)
    data = jnp.concatenate([tokens, lengths, labels], axis=1)
    table = jax.random.normal(k4, (VOCAB, DIM), dtype=jnp.float32) * 0.1
    return {"data": data, "table": table, "sent_maxlen": MAXLEN}

def reference(data, table, sent_maxlen):
    # split data -> token ids, lengths, labels (mirrors torch.split(data, [sent_maxlen,1,1], 1))
    S = data.shape[1] - 2
    x = data[:, :S]
    l = data[:, S:S + 1].astype(jnp.float32)
    y = data[:, sent_maxlen + 1]
    # nn.Embedding with padding_idx=1 -> row 1 is a zero vector
    tbl = table.at[1].set(0.0)
    emb = jnp.take(tbl, x, axis=0)            # [B, L, D] gather (embedding lookup)
    pooled = jnp.sum(emb, axis=1) / l          # sum-pool then divide by length
    logits = pooled                            # self.model is undefined in the source; identity head (num_classes = input_dim)
    logp = jax.nn.log_softmax(logits, axis=-1)
    loss = -jnp.mean(jnp.take_along_axis(logp, y[:, None], axis=1))
    pred = jnp.argmax(logits, axis=1)
    accuracy = jnp.mean((pred == y).astype(jnp.float32))
    return (loss, accuracy)

if __name__ == "__main__":
    import jax
    _d = setup_inputs()
    print(jax.jit(kernel)(*tuple(_d.values())))

</pallas_src>

<mosaic_0001>
#map = affine_map<(d0, d1) -> (0)>
#map1 = affine_map<(d0, d1) -> (0, 0)>
module attributes {stable_mosaic.version = 14 : i64} {
  func.func @sc_kernel(%arg0: i32, %arg1: i32, %arg2: memref<3309568xi32, #tpu.memory_space<hbm>>, %arg3: memref<1000000x32xf32, #tpu.memory_space<hbm>>, %arg4: memref<16384x32xf32, #tpu.memory_space<hbm>>, %arg5: memref<808xi32, #tpu.memory_space<vmem>>, %arg6: memref<808xi32, #tpu.memory_space<vmem>>, %arg7: memref<808x32xf32, #tpu.memory_space<vmem>>, %arg8: memref<808x32xf32, #tpu.memory_space<vmem>>, %arg9: memref<512x32xf32, #tpu.memory_space<vmem>>, %arg10: memref<!tpu.dma_semaphore, #tpu.memory_space<semaphore_mem>>, %arg11: memref<!tpu.dma_semaphore, #tpu.memory_space<semaphore_mem>>, %arg12: memref<!tpu.dma_semaphore, #tpu.memory_space<semaphore_mem>>, %arg13: memref<!tpu.dma_semaphore, #tpu.memory_space<semaphore_mem>>) attributes {dimension_semantics = [#tpu.dimension_semantics<core_parallel>, #tpu.dimension_semantics<subcore_parallel>], iteration_bounds = array<i64: 2, 16>, scalar_prefetch = 0 : i64, scratch_operands = 9 : i64, tpu.core_type = #tpu.core_type<sc_vector_subcore>, window_params = [{transform_indices = #map}, {transform_indices = #map1}, {transform_indices = #map1}]} {
    %mul3A = arith.constant 2 : i32
    %mul3A_0 = arith.muli %arg1, %mul3A : i32
    %add3A = arith.addi %mul3A_0, %arg0 : i32
    %mul3A_1 = arith.constant 512 : i32
    %mul3A_2 = arith.muli %add3A, %mul3A_1 : i32
    %min3A = arith.constant 0 : i32
    %min3A_3 = arith.constant 127 : i32
    %min3A_4 = arith.minsi %min3A, %min3A_3 : i32
    %mul3A_5 = arith.constant 4 : i32
    %mul3A_6 = arith.muli %min3A_4, %mul3A_5 : i32
    %add3A_7 = arith.addi %mul3A_2, %mul3A_6 : i32
    %mul3A_8 = arith.constant 202 : i32
    %mul3A_9 = arith.muli %add3A_7, %mul3A_8 : i32
    %dma_start3A = tpu.memref_slice %arg2[%mul3A_9] : memref<3309568xi32, #tpu.memory_space<hbm>> -> memref<808xi32, #tpu.memory_space<hbm>>
    %dma_start3A_10 = tpu.memref_slice %arg2[%mul3A_9] : memref<3309568xi32, #tpu.memory_space<hbm>> -> memref<808xi32, #tpu.memory_space<hbm>>
    tpu.enqueue_dma source(%dma_start3A_10 : memref<808xi32, #tpu.memory_space<hbm>>) target(%arg5 : memref<808xi32, #tpu.memory_space<vmem>>) target_semaphore(%arg12 : memref<!tpu.dma_semaphore, #tpu.memory_space<semaphore_mem>>)
    %dma_wait3A = tpu.memref_slice %arg2[%mul3A_9] : memref<3309568xi32, #tpu.memory_space<hbm>> -> memref<808xi32, #tpu.memory_space<hbm>>
    %dma_wait3A_11 = tpu.memref_slice %arg2[%mul3A_9] : memref<3309568xi32, #tpu.memory_space<hbm>> -> memref<808xi32, #tpu.memory_space<hbm>>
    tpu.wait_dma2 semaphore(%arg12 : memref<!tpu.dma_semaphore, #tpu.memory_space<semaphore_mem>>) src(%dma_wait3A_11 : memref<808xi32, #tpu.memory_space<hbm>>) dst(%arg5 : memref<808xi32, #tpu.memory_space<vmem>>)
    %dma_start3A_12 = arith.constant 0 : i32
    %dma_start3A_13 = arith.constant 0 : i32
    %dma_start3A_14 = tpu.memref_slice %arg7[%dma_start3A_12, %dma_start3A_13] : memref<808x32xf32, #tpu.memory_space<vmem>> -> memref<128x32xf32, #tpu.memory_space<vmem>>
    %dma_start3A_15 = arith.constant 0 : i32
    %dma_start3A_16 = tpu.memref_slice %arg5[%dma_start3A_15] : memref<808xi32, #tpu.memory_space<vmem>> -> memref<128xi32, #tpu.memory_space<vmem>>
    %dma_start3A_17 = arith.constant 0 : i32
    %dma_start3A_18 = arith.constant 0 : i32
    %dma_start3A_19 = tpu.memref_slice %arg3[%dma_start3A_17, %dma_start3A_18] : memref<1000000x32xf32, #tpu.memory_space<hbm>> -> memref<1000000x32xf32, #tpu.memory_space<hbm>>
    tpu.enqueue_indirect_dma source(%dma_start3A_19 : memref<1000000x32xf32, #tpu.memory_space<hbm>>) target(%dma_start3A_14 : memref<128x32xf32, #tpu.memory_space<vmem>>) offsets(%dma_start3A_16 : memref<128xi32, #tpu.memory_space<vmem>>) semaphore(%arg10 : memref<!tpu.dma_semaphore, #tpu.memory_space<semaphore_mem>>)
    %dma_start3A_20 = arith.constant 128 : i32
    %dma_start3A_21 = arith.constant 0 : i32
    %dma_start3A_22 = tpu.memref_slice %arg7[%dma_start3A_20, %dma_start3A_21] : memref<808x32xf32, #tpu.memory_space<vmem>> -> memref<128x32xf32, #tpu.memory_space<vmem>>
    %dma_start3A_23 = arith.constant 128 : i32
    %dma_start3A_24 = tpu.memref_slice %arg5[%dma_start3A_23] : memref<808xi32, #tpu.memory_space<vmem>> -> memref<128xi32, #tpu.memory_space<vmem>>
    %dma_start3A_25 = arith.constant 0 : i32
    %dma_start3A_26 = arith.constant 0 : i32
    %dma_start3A_27 = tpu.memref_slice %arg3[%dma_start3A_25, %dma_start3A_26] : memref<1000000x32xf32, #tpu.memory_space<hbm>> -> memref<1000000x32xf32, #tpu.memory_space<hbm>>
    tpu.enqueue_indirect_dma source(%dma_start3A_27 : memref<1000000x32xf32, #tpu.memory_space<hbm>>) target(%dma_start3A_22 : memref<128x32xf32, #tpu.memory_space<vmem>>) offsets(%dma_start3A_24 : memref<128xi32, #tpu.memory_space<vmem>>) semaphore(%arg10 : memref<!tpu.dma_semaphore, #tpu.memory_space<semaphore_mem>>)
    %dma_start3A_28 = arith.constant 256 : i32
    %dma_start3A_29 = arith.constant 0 : i32
    %dma_start3A_30 = tpu.memref_slice %arg7[%dma_start3A_28, %dma_start3A_29] : memref<808x32xf32, #tpu.memory_space<vmem>> -> memref<128x32xf32, #tpu.memory_space<vmem>>
    %dma_start3A_31 = arith.constant 256 : i32
    %dma_start3A_32 = tpu.memref_slice %arg5[%dma_start3A_31] : memref<808xi32, #tpu.memory_space<vmem>> -> memref<128xi32, #tpu.memory_space<vmem>>
    %dma_start3A_33 = arith.constant 0 : i32
    %dma_start3A_34 = arith.constant 0 : i32
    %dma_start3A_35 = tpu.memref_slice %arg3[%dma_start3A_33, %dma_start3A_34] : memref<1000000x32xf32, #tpu.memory_space<hbm>> -> memref<1000000x32xf32, #tpu.memory_space<hbm>>
    tpu.enqueue_indirect_dma source(%dma_start3A_35 : memref<1000000x32xf32, #tpu.memory_space<hbm>>) target(%dma_start3A_30 : memref<128x32xf32, #tpu.memory_space<vmem>>) offsets(%dma_start3A_32 : memref<128xi32, #tpu.memory_space<vmem>>) semaphore(%arg10 : memref<!tpu.dma_semaphore, #tpu.memory_space<semaphore_mem>>)
    %dma_start3A_36 = arith.constant 384 : i32
    %dma_start3A_37 = arith.constant 0 : i32
    %dma_start3A_38 = tpu.memref_slice %arg7[%dma_start3A_36, %dma_start3A_37] : memref<808x32xf32, #tpu.memory_space<vmem>> -> memref<128x32xf32, #tpu.memory_space<vmem>>
    %dma_start3A_39 = arith.constant 384 : i32
    %dma_start3A_40 = tpu.memref_slice %arg5[%dma_start3A_39] : memref<808xi32, #tpu.memory_space<vmem>> -> memref<128xi32, #tpu.memory_space<vmem>>
    %dma_start3A_41 = arith.constant 0 : i32
    %dma_start3A_42 = arith.constant 0 : i32
    %dma_start3A_43 = tpu.memref_slice %arg3[%dma_start3A_41, %dma_start3A_42] : memref<1000000x32xf32, #tpu.memory_space<hbm>> -> memref<1000000x32xf32, #tpu.memory_space<hbm>>
    tpu.enqueue_indirect_dma source(%dma_start3A_43 : memref<1000000x32xf32, #tpu.memory_space<hbm>>) target(%dma_start3A_38 : memref<128x32xf32, #tpu.memory_space<vmem>>) offsets(%dma_start3A_40 : memref<128xi32, #tpu.memory_space<vmem>>) semaphore(%arg10 : memref<!tpu.dma_semaphore, #tpu.memory_space<semaphore_mem>>)
    %dma_start3A_44 = arith.constant 512 : i32
    %dma_start3A_45 = arith.constant 0 : i32
    %dma_start3A_46 = tpu.memref_slice %arg7[%dma_start3A_44, %dma_start3A_45] : memref<808x32xf32, #tpu.memory_space<vmem>> -> memref<128x32xf32, #tpu.memory_space<vmem>>
    %dma_start3A_47 = arith.constant 512 : i32
    %dma_start3A_48 = tpu.memref_slice %arg5[%dma_start3A_47] : memref<808xi32, #tpu.memory_space<vmem>> -> memref<128xi32, #tpu.memory_space<vmem>>
    %dma_start3A_49 = arith.constant 0 : i32
    %dma_start3A_50 = arith.constant 0 : i32
    %dma_start3A_51 = tpu.memref_slice %arg3[%dma_start3A_49, %dma_start3A_50] : memref<1000000x32xf32, #tpu.memory_space<hbm>> -> memref<1000000x32xf32, #tpu.memory_space<hbm>>
    tpu.enqueue_indirect_dma source(%dma_start3A_51 : memref<1000000x32xf32, #tpu.memory_space<hbm>>) target(%dma_start3A_46 : memref<128x32xf32, #tpu.memory_space<vmem>>) offsets(%dma_start3A_48 : memref<128xi32, #tpu.memory_space<vmem>>) semaphore(%arg10 : memref<!tpu.dma_semaphore, #tpu.memory_space<semaphore_mem>>)
    %dma_start3A_52 = arith.constant 640 : i32
    %dma_start3A_53 = arith.constant 0 : i32
    %dma_start3A_54 = tpu.memref_slice %arg7[%dma_start3A_52, %dma_start3A_53] : memref<808x32xf32, #tpu.memory_space<vmem>> -> memref<128x32xf32, #tpu.memory_space<vmem>>
    %dma_start3A_55 = arith.constant 640 : i32
    %dma_start3A_56 = tpu.memref_slice %arg5[%dma_start3A_55] : memref<808xi32, #tpu.memory_space<vmem>> -> memref<128xi32, #tpu.memory_space<vmem>>
    %dma_start3A_57 = arith.constant 0 : i32
    %dma_start3A_58 = arith.constant 0 : i32
    %dma_start3A_59 = tpu.memref_slice %arg3[%dma_start3A_57, %dma_start3A_58] : memref<1000000x32xf32, #tpu.memory_space<hbm>> -> memref<1000000x32xf32, #tpu.memory_space<hbm>>
    tpu.enqueue_indirect_dma source(%dma_start3A_59 : memref<1000000x32xf32, #tpu.memory_space<hbm>>) target(%dma_start3A_54 : memref<128x32xf32, #tpu.memory_space<vmem>>) offsets(%dma_start3A_56 : memref<128xi32, #tpu.memory_space<vmem>>) semaphore(%arg10 : memref<!tpu.dma_semaphore, #tpu.memory_space<semaphore_mem>>)
    %dma_start3A_60 = arith.constant 768 : i32
    %dma_start3A_61 = arith.constant 0 : i32
    %dma_start3A_62 = tpu.memref_slice %arg7[%dma_start3A_60, %dma_start3A_61] : memref<808x32xf32, #tpu.memory_space<vmem>> -> memref<40x32xf32, #tpu.memory_space<vmem>>
    %dma_start3A_63 = arith.constant 768 : i32
    %dma_start3A_64 = tpu.memref_slice %arg5[%dma_start3A_63] : memref<808xi32, #tpu.memory_space<vmem>> -> memref<40xi32, #tpu.memory_space<vmem>>
    %dma_start3A_65 = arith.constant 0 : i32
    %dma_start3A_66 = arith.constant 0 : i32
    %dma_start3A_67 = tpu.memref_slice %arg3[%dma_start3A_65, %dma_start3A_66] : memref<1000000x32xf32, #tpu.memory_space<hbm>> -> memref<1000000x32xf32, #tpu.memory_space<hbm>>
    tpu.enqueue_indirect_dma source(%dma_start3A_67 : memref<1000000x32xf32, #tpu.memory_space<hbm>>) target(%dma_start3A_62 : memref<40x32xf32, #tpu.memory_space<vmem>>) offsets(%dma_start3A_64 : memref<40xi32, #tpu.memory_space<vmem>>) semaphore(%arg10 : memref<!tpu.dma_semaphore, #tpu.memory_space<semaphore_mem>>)
    %min3A_68 = arith.constant 1 : i32
    %min3A_69 = arith.constant 127 : i32
    %min3A_70 = arith.minsi %min3A_68, %min3A_69 : i32
    %mul3A_71 = arith.constant 4 : i32
    %mul3A_72 = arith.muli %min3A_70, %mul3A_71 : i32
    %add3A_73 = arith.addi %mul3A_2, %mul3A_72 : i32
    %mul3A_74 = arith.constant 202 : i32
    %mul3A_75 = arith.muli %add3A_73, %mul3A_74 : i32
    %dma_start3A_76 = tpu.memref_slice %arg2[%mul3A_75] : memref<3309568xi32, #tpu.memory_space<hbm>> -> memref<808xi32, #tpu.memory_space<hbm>>
    %dma_start3A_77 = tpu.memref_slice %arg2[%mul3A_75] : memref<3309568xi32, #tpu.memory_space<hbm>> -> memref<808xi32, #tpu.memory_space<hbm>>
    tpu.enqueue_dma source(%dma_start3A_77 : memref<808xi32, #tpu.memory_space<hbm>>) target(%arg6 : memref<808xi32, #tpu.memory_space<vmem>>) target_semaphore(%arg13 : memref<!tpu.dma_semaphore, #tpu.memory_space<semaphore_mem>>)
    %scan3A = arith.constant 0 : i32
    %scan3A_78 = arith.constant 0 : i32
    %scan3A_79 = arith.constant 64 : i32
    %scan3A_80 = arith.addi %scan3A_78, %scan3A_79 : i32
    %scan3A_81 = arith.constant 1 : i32
    %scan3A_82 = scf.for %scan3A_150 = %scan3A_78 to %scan3A_80 step %scan3A_81 iter_args(%scan3A_151 = %scan3A) -> (i32)  : i32 {
      %mul3A_152 = arith.constant 2 : i32
      %mul3A_153 = arith.muli %mul3A_152, %scan3A_150 : i32
      %dma_wait3A_154 = arith.constant 0 : i32
      %dma_wait3A_155 = arith.constant 0 : i32
      %dma_wait3A_156 = tpu.memref_slice %arg7[%dma_wait3A_154, %dma_wait3A_155] : memref<808x32xf32, #tpu.memory_space<vmem>> -> memref<128x32xf32, #tpu.memory_space<vmem>>
      %dma_wait3A_157 = arith.constant 0 : i32
      %dma_wait3A_158 = tpu.memref_slice %arg5[%dma_wait3A_157] : memref<808xi32, #tpu.memory_space<vmem>> -> memref<128xi32, #tpu.memory_space<vmem>>
      %dma_wait3A_159 = arith.constant 0 : i32
      %dma_wait3A_160 = arith.constant 0 : i32
      %dma_wait3A_161 = tpu.memref_slice %arg3[%dma_wait3A_159, %dma_wait3A_160] : memref<1000000x32xf32, #tpu.memory_space<hbm>> -> memref<1000000x32xf32, #tpu.memory_space<hbm>>
      tpu.wait_indirect_dma semaphore(%arg10 : memref<!tpu.dma_semaphore, #tpu.memory_space<semaphore_mem>>) src(%dma_wait3A_161 : memref<1000000x32xf32, #tpu.memory_space<hbm>>) dst(%dma_wait3A_156 : memref<128x32xf32, #tpu.memory_space<vmem>>)
      %dma_wait3A_162 = arith.constant 128 : i32
      %dma_wait3A_163 = arith.constant 0 : i32
      %dma_wait3A_164 = tpu.memref_slice %arg7[%dma_wait3A_162, %dma_wait3A_163] : memref<808x32xf32, #tpu.memory_space<vmem>> -> memref<128x32xf32, #tpu.memory_space<vmem>>
      %dma_wait3A_165 = arith.constant 128 : i32
      %dma_wait3A_166 = tpu.memref_slice %arg5[%dma_wait3A_165] : memref<808xi32, #tpu.memory_space<vmem>> -> memref<128xi32, #tpu.memory_space<vmem>>
      %dma_wait3A_167 = arith.constant 0 : i32
      %dma_wait3A_168 = arith.constant 0 : i32
      %dma_wait3A_169 = tpu.memref_slice %arg3[%dma_wait3A_167, %dma_wait3A_168] : memref<1000000x32xf32, #tpu.memory_space<hbm>> -> memref<1000000x32xf32, #tpu.memory_space<hbm>>
      tpu.wait_indirect_dma semaphore(%arg10 : memref<!tpu.dma_semaphore, #tpu.memory_space<semaphore_mem>>) src(%dma_wait3A_169 : memref<1000000x32xf32, #tpu.memory_space<hbm>>) dst(%dma_wait3A_164 : memref<128x32xf32, #tpu.memory_space<vmem>>)
      %dma_wait3A_170 = arith.constant 256 : i32
      %dma_wait3A_171 = arith.constant 0 : i32
      %dma_wait3A_172 = tpu.memref_slice %arg7[%dma_wait3A_170, %dma_wait3A_171] : memref<808x32xf32, #tpu.memory_space<vmem>> -> memref<128x32xf32, #tpu.memory_space<vmem>>
      %dma_wait3A_173 = arith.constant 256 : i32
      %dma_wait3A_174 = tpu.memref_slice %arg5[%dma_wait3A_173] : memref<808xi32, #tpu.memory_space<vmem>> -> memref<128xi32, #tpu.memory_space<vmem>>
      %dma_wait3A_175 = arith.constant 0 : i32
      %dma_wait3A_176 = arith.constant 0 : i32
      %dma_wait3A_177 = tpu.memref_slice %arg3[%dma_wait3A_175, %dma_wait3A_176] : memref<1000000x32xf32, #tpu.memory_space<hbm>> -> memref<1000000x32xf32, #tpu.memory_space<hbm>>
      tpu.wait_indirect_dma semaphore(%arg10 : memref<!tpu.dma_semaphore, #tpu.memory_space<semaphore_mem>>) src(%dma_wait3A_177 : memref<1000000x32xf32, #tpu.memory_space<hbm>>) dst(%dma_wait3A_172 : memref<128x32xf32, #tpu.memory_space<vmem>>)
      %dma_wait3A_178 = arith.constant 384 : i32
      %dma_wait3A_179 = arith.constant 0 : i32
      %dma_wait3A_180 = tpu.memref_slice %arg7[%dma_wait3A_178, %dma_wait3A_179] : memref<808x32xf32, #tpu.memory_space<vmem>> -> memref<128x32xf32, #tpu.memory_space<vmem>>
      %dma_wait3A_181 = arith.constant 384 : i32
      %dma_wait3A_182 = tpu.memref_slice %arg5[%dma_wait3A_181] : memref<808xi32, #tpu.memory_space<vmem>> -> memref<128xi32, #tpu.memory_space<vmem>>
      %dma_wait3A_183 = arith.constant 0 : i32
      %dma_wait3A_184 = arith.constant 0 : i32
      %dma_wait3A_185 = tpu.memref_slice %arg3[%dma_wait3A_183, %dma_wait3A_184] : memref<1000000x32xf32, #tpu.memory_space<hbm>> -> memref<1000000x32xf32, #tpu.memory_space<hbm>>
      tpu.wait_indirect_dma semaphore(%arg10 : memref<!tpu.dma_semaphore, #tpu.memory_space<semaphore_mem>>) src(%dma_wait3A_185 : memref<1000000x32xf32, #tpu.memory_space<hbm>>) dst(%dma_wait3A_180 : memref<128x32xf32, #tpu.memory_space<vmem>>)
      %dma_wait3A_186 = arith.constant 512 : i32
      %dma_wait3A_187 = arith.constant 0 : i32
      %dma_wait3A_188 = tpu.memref_slice %arg7[%dma_wait3A_186, %dma_wait3A_187] : memref<808x32xf32, #tpu.memory_space<vmem>> -> memref<128x32xf32, #tpu.memory_space<vmem>>
      %dma_wait3A_189 = arith.constant 512 : i32
      %dma_wait3A_190 = tpu.memref_slice %arg5[%dma_wait3A_189] : memref<808xi32, #tpu.memory_space<vmem>> -> memref<128xi32, #tpu.memory_space<vmem>>
      %dma_wait3A_191 = arith.constant 0 : i32
      %dma_wait3A_192 = arith.constant 0 : i32
      %dma_wait3A_193 = tpu.memref_slice %arg3[%dma_wait3A_191, %dma_wait3A_192] : memref<1000000x32xf32, #tpu.memory_space<hbm>> -> memref<1000000x32xf32, #tpu.memory_space<hbm>>
      tpu.wait_indirect_dma semaphore(%arg10 : memref<!tpu.dma_semaphore, #tpu.memory_space<semaphore_mem>>) src(%dma_wait3A_193 : memref<1000000x32xf32, #tpu.memory_space<hbm>>) dst(%dma_wait3A_188 : memref<128x32xf32, #tpu.memory_space<vmem>>)
      %dma_wait3A_194 = arith.constant 640 : i32
      %dma_wait3A_195 = arith.constant 0 : i32
      %dma_wait3A_196 = tpu.memref_slice %arg7[%dma_wait3A_194, %dma_wait3A_195] : memref<808x32xf32, #tpu.memory_space<vmem>> -> memref<128x32xf32, #tpu.memory_space<vmem>>
      %dma_wait3A_197 = arith.constant 640 : i32
      %dma_wait3A_198 = tpu.memref_slice %arg5[%dma_wait3A_197] : memref<808xi32, #tpu.memory_space<vmem>> -> memref<128xi32, #tpu.memory_space<vmem>>
      %dma_wait3A_199 = arith.constant 0 : i32
      %dma_wait3A_200 = arith.constant 0 : i32
      %dma_wait3A_201 = tpu.memref_slice %arg3[%dma_wait3A_199, %dma_wait3A_200] : memref<1000000x32xf32, #tpu.memory_space<hbm>> -> memref<1000000x32xf32, #tpu.memory_space<hbm>>
      tpu.wait_indirect_dma semaphore(%arg10 : memref<!tpu.dma_semaphore, #tpu.memory_space<semaphore_mem>>) src(%dma_wait3A_201 : memref<1000000x32xf32, #tpu.memory_space<hbm>>) dst(%dma_wait3A_196 : memref<128x32xf32, #tpu.memory_space<vmem>>)
      %dma_wait3A_202 = arith.constant 768 : i32
      %dma_wait3A_203 = arith.constant 0 : i32
      %dma_wait3A_204 = tpu.memref_slice %arg7[%dma_wait3A_202, %dma_wait3A_203] : memref<808x32xf32, #tpu.memory_space<vmem>> -> memref<40x32xf32, #tpu.memory_space<vmem>>
      %dma_wait3A_205 = arith.constant 768 : i32
      %dma_wait3A_206 = tpu.memref_slice %arg5[%dma_wait3A_205] : memref<808xi32, #tpu.memory_space<vmem>> -> memref<40xi32, #tpu.memory_space<vmem>>
      %dma_wait3A_207 = arith.constant 0 : i32
      %dma_wait3A_208 = arith.constant 0 : i32
      %dma_wait3A_209 = tpu.memref_slice %arg3[%dma_wait3A_207, %dma_wait3A_208] : memref<1000000x32xf32, #tpu.memory_space<hbm>> -> memref<1000000x32xf32, #tpu.memory_space<hbm>>
      tpu.wait_indirect_dma semaphore(%arg10 : memref<!tpu.dma_semaphore, #tpu.memory_space<semaphore_mem>>) src(%dma_wait3A_209 : memref<1000000x32xf32, #tpu.memory_space<hbm>>) dst(%dma_wait3A_204 : memref<40x32xf32, #tpu.memory_space<vmem>>)
      %add3A_210 = arith.constant 2 : i32
      %add3A_211 = arith.addi %mul3A_153, %add3A_210 : i32
      %min3A_212 = arith.constant 127 : i32
      %min3A_213 = arith.minsi %add3A_211, %min3A_212 : i32
      %mul3A_214 = arith.constant 4 : i32
      %mul3A_215 = arith.muli %min3A_213, %mul3A_214 : i32
      %add3A_216 = arith.addi %mul3A_2, %mul3A_215 : i32
      %mul3A_217 = arith.constant 202 : i32
      %mul3A_218 = arith.muli %add3A_216, %mul3A_217 : i32
      %dma_start3A_219 = tpu.memref_slice %arg2[%mul3A_218] : memref<3309568xi32, #tpu.memory_space<hbm>> -> memref<808xi32, #tpu.memory_space<hbm>>
      %dma_start3A_220 = tpu.memref_slice %arg2[%mul3A_218] : memref<3309568xi32, #tpu.memory_space<hbm>> -> memref<808xi32, #tpu.memory_space<hbm>>
      tpu.enqueue_dma source(%dma_start3A_220 : memref<808xi32, #tpu.memory_space<hbm>>) target(%arg5 : memref<808xi32, #tpu.memory_space<vmem>>) target_semaphore(%arg12 : memref<!tpu.dma_semaphore, #tpu.memory_space<semaphore_mem>>)
      %add3A_221 = arith.constant 1 : i32
      %add3A_222 = arith.addi %mul3A_153, %add3A_221 : i32
      %min3A_223 = arith.constant 127 : i32
      %min3A_224 = arith.minsi %add3A_222, %min3A_223 : i32
      %mul3A_225 = arith.constant 4 : i32
      %mul3A_226 = arith.muli %min3A_224, %mul3A_225 : i32
      %add3A_227 = arith.addi %mul3A_2, %mul3A_226 : i32
      %mul3A_228 = arith.constant 202 : i32
      %mul3A_229 = arith.muli %add3A_227, %mul3A_228 : i32
      %dma_wait3A_230 = tpu.memref_slice %arg2[%mul3A_229] : memref<3309568xi32, #tpu.memory_space<hbm>> -> memref<808xi32, #tpu.memory_space<hbm>>
      %dma_wait3A_231 = tpu.memref_slice %arg2[%mul3A_229] : memref<3309568xi32, #tpu.memory_space<hbm>> -> memref<808xi32, #tpu.memory_space<hbm>>
      tpu.wait_dma2 semaphore(%arg13 : memref<!tpu.dma_semaphore, #tpu.memory_space<semaphore_mem>>) src(%dma_wait3A_231 : memref<808xi32, #tpu.memory_space<hbm>>) dst(%arg6 : memref<808xi32, #tpu.memory_space<vmem>>)
      %dma_start3A_232 = arith.constant 0 : i32
      %dma_start3A_233 = arith.constant 0 : i32
      %dma_start3A_234 = tpu.memref_slice %arg8[%dma_start3A_232, %dma_start3A_233] : memref<808x32xf32, #tpu.memory_space<vmem>> -> memref<128x32xf32, #tpu.memory_space<vmem>>
      %dma_start3A_235 = arith.constant 0 : i32
      %dma_start3A_236 = tpu.memref_slice %arg6[%dma_start3A_235] : memref<808xi32, #tpu.memory_space<vmem>> -> memref<128xi32, #tpu.memory_space<vmem>>
      %dma_start3A_237 = arith.constant 0 : i32
      %dma_start3A_238 = arith.constant 0 : i32
      %dma_start3A_239 = tpu.memref_slice %arg3[%dma_start3A_237, %dma_start3A_238] : memref<1000000x32xf32, #tpu.memory_space<hbm>> -> memref<1000000x32xf32, #tpu.memory_space<hbm>>
      tpu.enqueue_indirect_dma source(%dma_start3A_239 : memref<1000000x32xf32, #tpu.memory_space<hbm>>) target(%dma_start3A_234 : memref<128x32xf32, #tpu.memory_space<vmem>>) offsets(%dma_start3A_236 : memref<128xi32, #tpu.memory_space<vmem>>) semaphore(%arg11 : memref<!tpu.dma_semaphore, #tpu.memory_space<semaphore_mem>>)
      %dma_start3A_240 = arith.constant 128 : i32
      %dma_start3A_241 = arith.constant 0 : i32
      %dma_start3A_242 = tpu.memref_slice %arg8[%dma_start3A_240, %dma_start3A_241] : memref<808x32xf32, #tpu.memory_space<vmem>> -> memref<128x32xf32, #tpu.memory_space<vmem>>
      %dma_start3A_243 = arith.constant 128 : i32
      %dma_start3A_244 = tpu.memref_slice %arg6[%dma_start3A_243] : memref<808xi32, #tpu.memory_space<vmem>> -> memref<128xi32, #tpu.memory_space<vmem>>
      %dma_start3A_245 = arith.constant 0 : i32
      %dma_start3A_246 = arith.constant 0 : i32
      %dma_start3A_247 = tpu.memref_slice %arg3[%dma_start3A_245, %dma_start3A_246] : memref<1000000x32xf32, #tpu.memory_space<hbm>> -> memref<1000000x32xf32, #tpu.memory_space<hbm>>
      tpu.enqueue_indirect_dma source(%dma_start3A_247 : memref<1000000x32xf32, #tpu.memory_space<hbm>>) target(%dma_start3A_242 : memref<128x32xf32, #tpu.memory_space<vmem>>) offsets(%dma_start3A_244 : memref<128xi32, #tpu.memory_space<vmem>>) semaphore(%arg11 : memref<!tpu.dma_semaphore, #tpu.memory_space<semaphore_mem>>)
      %dma_start3A_248 = arith.constant 256 : i32
      %dma_start3A_249 = arith.constant 0 : i32
      %dma_start3A_250 = tpu.memref_slice %arg8[%dma_start3A_248, %dma_start3A_249] : memref<808x32xf32, #tpu.memory_space<vmem>> -> memref<128x32xf32, #tpu.memory_space<vmem>>
      %dma_start3A_251 = arith.constant 256 : i32
      %dma_start3A_252 = tpu.memref_slice %arg6[%dma_start3A_251] : memref<808xi32, #tpu.memory_space<vmem>> -> memref<128xi32, #tpu.memory_space<vmem>>
      %dma_start3A_253 = arith.constant 0 : i32
      %dma_start3A_254 = arith.constant 0 : i32
      %dma_start3A_255 = tpu.memref_slice %arg3[%dma_start3A_253, %dma_start3A_254] : memref<1000000x32xf32, #tpu.memory_space<hbm>> -> memref<1000000x32xf32, #tpu.memory_space<hbm>>
      tpu.enqueue_indirect_dma source(%dma_start3A_255 : memref<1000000x32xf32, #tpu.memory_space<hbm>>) target(%dma_start3A_250 : memref<128x32xf32, #tpu.memory_space<vmem>>) offsets(%dma_start3A_252 : memref<128xi32, #tpu.memory_space<vmem>>) semaphore(%arg11 : memref<!tpu.dma_semaphore, #tpu.memory_space<semaphore_mem>>)
      %dma_start3A_256 = arith.constant 384 : i32
      %dma_start3A_257 = arith.constant 0 : i32
      %dma_start3A_258 = tpu.memref_slice %arg8[%dma_start3A_256, %dma_start3A_257] : memref<808x32xf32, #tpu.memory_space<vmem>> -> memref<128x32xf32, #tpu.memory_space<vmem>>
      %dma_start3A_259 = arith.constant 384 : i32
      %dma_start3A_260 = tpu.memref_slice %arg6[%dma_start3A_259] : memref<808xi32, #tpu.memory_space<vmem>> -> memref<128xi32, #tpu.memory_space<vmem>>
      %dma_start3A_261 = arith.constant 0 : i32
      %dma_start3A_262 = arith.constant 0 : i32
      %dma_start3A_263 = tpu.memref_slice %arg3[%dma_start3A_261, %dma_start3A_262] : memref<1000000x32xf32, #tpu.memory_space<hbm>> -> memref<1000000x32xf32, #tpu.memory_space<hbm>>
      tpu.enqueue_indirect_dma source(%dma_start3A_263 : memref<1000000x32xf32, #tpu.memory_space<hbm>>) target(%dma_start3A_258 : memref<128x32xf32, #tpu.memory_space<vmem>>) offsets(%dma_start3A_260 : memref<128xi32, #tpu.memory_space<vmem>>) semaphore(%arg11 : memref<!tpu.dma_semaphore, #tpu.memory_space<semaphore_mem>>)
      %dma_start3A_264 = arith.constant 512 : i32
      %dma_start3A_265 = arith.constant 0 : i32
      %dma_start3A_266 = tpu.memref_slice %arg8[%dma_start3A_264, %dma_start3A_265] : memref<808x32xf32, #tpu.memory_space<vmem>> -> memref<128x32xf32, #tpu.memory_space<vmem>>
      %dma_start3A_267 = arith.constant 512 : i32
      %dma_start3A_268 = tpu.memref_slice %arg6[%dma_start3A_267] : memref<808xi32, #tpu.memory_space<vmem>> -> memref<128xi32, #tpu.memory_space<vmem>>
      %dma_start3A_269 = arith.constant 0 : i32
      %dma_start3A_270 = arith.constant 0 : i32
      %dma_start3A_271 = tpu.memref_slice %arg3[%dma_start3A_269, %dma_start3A_270] : memref<1000000x32xf32, #tpu.memory_space<hbm>> -> memref<1000000x32xf32, #tpu.memory_space<hbm>>
      tpu.enqueue_indirect_dma source(%dma_start3A_271 : memref<1000000x32xf32, #tpu.memory_space<hbm>>) target(%dma_start3A_266 : memref<128x32xf32, #tpu.memory_space<vmem>>) offsets(%dma_start3A_268 : memref<128xi32, #tpu.memory_space<vmem>>) semaphore(%arg11 : memref<!tpu.dma_semaphore, #tpu.memory_space<semaphore_mem>>)
      %dma_start3A_272 = arith.constant 640 : i32
      %dma_start3A_273 = arith.constant 0 : i32
      %dma_start3A_274 = tpu.memref_slice %arg8[%dma_start3A_272, %dma_start3A_273] : memref<808x32xf32, #tpu.memory_space<vmem>> -> memref<128x32xf32, #tpu.memory_space<vmem>>
      %dma_start3A_275 = arith.constant 640 : i32
      %dma_start3A_276 = tpu.memref_slice %arg6[%dma_start3A_275] : memref<808xi32, #tpu.memory_space<vmem>> -> memref<128xi32, #tpu.memory_space<vmem>>
      %dma_start3A_277 = arith.constant 0 : i32
      %dma_start3A_278 = arith.constant 0 : i32
      %dma_start3A_279 = tpu.memref_slice %arg3[%dma_start3A_277, %dma_start3A_278] : memref<1000000x32xf32, #tpu.memory_space<hbm>> -> memref<1000000x32xf32, #tpu.memory_space<hbm>>
      tpu.enqueue_indirect_dma source(%dma_start3A_279 : memref<1000000x32xf32, #tpu.memory_space<hbm>>) target(%dma_start3A_274 : memref<128x32xf32, #tpu.memory_space<vmem>>) offsets(%dma_start3A_276 : memref<128xi32, #tpu.memory_space<vmem>>) semaphore(%arg11 : memref<!tpu.dma_semaphore, #tpu.memory_space<semaphore_mem>>)
      %dma_start3A_280 = arith.constant 768 : i32
      %dma_start3A_281 = arith.constant 0 : i32
      %dma_start3A_282 = tpu.memref_slice %arg8[%dma_start3A_280, %dma_start3A_281] : memref<808x32xf32, #tpu.memory_space<vmem>> -> memref<40x32xf32, #tpu.memory_space<vmem>>
      %dma_start3A_283 = arith.constant 768 : i32
      %dma_start3A_284 = tpu.memref_slice %arg6[%dma_start3A_283] : memref<808xi32, #tpu.memory_space<vmem>> -> memref<40xi32, #tpu.memory_space<vmem>>
      %dma_start3A_285 = arith.constant 0 : i32
      %dma_start3A_286 = arith.constant 0 : i32
      %dma_start3A_287 = tpu.memref_slice %arg3[%dma_start3A_285, %dma_start3A_286] : memref<1000000x32xf32, #tpu.memory_space<hbm>> -> memref<1000000x32xf32, #tpu.memory_space<hbm>>
      tpu.enqueue_indirect_dma source(%dma_start3A_287 : memref<1000000x32xf32, #tpu.memory_space<hbm>>) target(%dma_start3A_282 : memref<40x32xf32, #tpu.memory_space<vmem>>) offsets(%dma_start3A_284 : memref<40xi32, #tpu.memory_space<vmem>>) semaphore(%arg11 : memref<!tpu.dma_semaphore, #tpu.memory_space<semaphore_mem>>)
      %broadcast_in_dim3A = arith.constant 0.000000e+00 : f32
      %broadcast_in_dim3A_288 = vector.broadcast %broadcast_in_dim3A : f32 to vector<16xf32>
      %parallel_loop3A = arith.constant 0 : i32
      %parallel_loop3A_289 = arith.constant 50 : i32
      %parallel_loop3A_290 = arith.constant 1 : i32
      %parallel_loop3A_291:8 = scf.for %parallel_loop3A_662 = %parallel_loop3A to %parallel_loop3A_289 step %parallel_loop3A_290 iter_args(%parallel_loop3A_663 = %broadcast_in_dim3A_288, %parallel_loop3A_664 = %broadcast_in_dim3A_288, %parallel_loop3A_665 = %broadcast_in_dim3A_288, %parallel_loop3A_666 = %broadcast_in_dim3A_288, %parallel_loop3A_667 = %broadcast_in_dim3A_288, %parallel_loop3A_668 = %broadcast_in_dim3A_288, %parallel_loop3A_669 = %broadcast_in_dim3A_288, %parallel_loop3A_670 = %broadcast_in_dim3A_288) -> (vector<16xf32>, vector<16xf32>, vector<16xf32>, vector<16xf32>, vector<16xf32>, vector<16xf32>, vector<16xf32>, vector<16xf32>)  : i32 {
        %parallel_loop3A_671 = arith.constant 4 : i32
        %parallel_loop3A_672 = arith.muli %parallel_loop3A_662, %parallel_loop3A_671 : i32
        %parallel_loop3A_673 = arith.constant 0 : i32
        %parallel_loop3A_674 = arith.addi %parallel_loop3A_673, %parallel_loop3A_672 : i32
        %parallel_loop3A_675 = arith.index_cast %parallel_loop3A_674 : i32 to index
        %parallel_loop3A_676 = arith.constant 0 : index
        %parallel_loop3A_677 = tpu.vector_load %arg7[%parallel_loop3A_675, %parallel_loop3A_676] {strides = array<i32>} : memref<808x32xf32, #tpu.memory_space<vmem>>, vector<1x16xf32>,
        %parallel_loop3A_678 = vector.shape_cast %parallel_loop3A_677 : vector<1x16xf32> to vector<16xf32>
        %parallel_loop3A_679 = arith.addf %parallel_loop3A_663, %parallel_loop3A_678 : vector<16xf32>
        %parallel_loop3A_680 = arith.index_cast %parallel_loop3A_674 : i32 to index
        %parallel_loop3A_681 = arith.constant 16 : index
        %parallel_loop3A_682 = tpu.vector_load %arg7[%parallel_loop3A_680, %parallel_loop3A_681] {strides = array<i32>} : memref<808x32xf32, #tpu.memory_space<vmem>>, vector<1x16xf32>,
        %parallel_loop3A_683 = vector.shape_cast %parallel_loop3A_682 : vector<1x16xf32> to vector<16xf32>
        %parallel_loop3A_684 = arith.addf %parallel_loop3A_664, %parallel_loop3A_683 : vector<16xf32>
        %parallel_loop3A_685 = arith.constant 1 : i32
        %parallel_loop3A_686 = arith.addi %parallel_loop3A_674, %parallel_loop3A_685 : i32
        %parallel_loop3A_687 = arith.index_cast %parallel_loop3A_686 : i32 to index
        %parallel_loop3A_688 = arith.constant 0 : index
        %parallel_loop3A_689 = tpu.vector_load %arg7[%parallel_loop3A_687, %parallel_loop3A_688] {strides = array<i32>} : memref<808x32xf32, #tpu.memory_space<vmem>>, vector<1x16xf32>,
        %parallel_loop3A_690 = vector.shape_cast %parallel_loop3A_689 : vector<1x16xf32> to vector<16xf32>
        %parallel_loop3A_691 = arith.addf %parallel_loop3A_665, %parallel_loop3A_690 : vector<16xf32>
        %parallel_loop3A_692 = arith.constant 1 : i32
        %parallel_loop3A_693 = arith.addi %parallel_loop3A_674, %parallel_loop3A_692 : i32
        %parallel_loop3A_694 = arith.index_cast %parallel_loop3A_693 : i32 to index
        %parallel_loop3A_695 = arith.constant 16 : index
        %parallel_loop3A_696 = tpu.vector_load %arg7[%parallel_loop3A_694, %parallel_loop3A_695] {strides = array<i32>} : memref<808x32xf32, #tpu.memory_space<vmem>>, vector<1x16xf32>,
        %parallel_loop3A_697 = vector.shape_cast %parallel_loop3A_696 : vector<1x16xf32> to vector<16xf32>
        %parallel_loop3A_698 = arith.addf %parallel_loop3A_666, %parallel_loop3A_697 : vector<16xf32>
        %parallel_loop3A_699 = arith.constant 2 : i32
        %parallel_loop3A_700 = arith.addi %parallel_loop3A_674, %parallel_loop3A_699 : i32
        %parallel_loop3A_701 = arith.index_cast %parallel_loop3A_700 : i32 to index
        %parallel_loop3A_702 = arith.constant 0 : index
        %parallel_loop3A_703 = tpu.vector_load %arg7[%parallel_loop3A_701, %parallel_loop3A_702] {strides = array<i32>} : memref<808x32xf32, #tpu.memory_space<vmem>>, vector<1x16xf32>,
        %parallel_loop3A_704 = vector.shape_cast %parallel_loop3A_703 : vector<1x16xf32> to vector<16xf32>
        %parallel_loop3A_705 = arith.addf %parallel_loop3A_667, %parallel_loop3A_704 : vector<16xf32>
        %parallel_loop3A_706 = arith.constant 2 : i32
        %parallel_loop3A_707 = arith.addi %parallel_loop3A_674, %parallel_loop3A_706 : i32
        %parallel_loop3A_708 = arith.index_cast %parallel_loop3A_707 : i32 to index
        %parallel_loop3A_709 = arith.constant 16 : index
        %parallel_loop3A_710 = tpu.vector_load %arg7[%parallel_loop3A_708, %parallel_loop3A_709] {strides = array<i32>} : memref<808x32xf32, #tpu.memory_space<vmem>>, vector<1x16xf32>,
        %parallel_loop3A_711 = vector.shape_cast %parallel_loop3A_710 : vector<1x16xf32> to vector<16xf32>
        %parallel_loop3A_712 = arith.addf %parallel_loop3A_668, %parallel_loop3A_711 : vector<16xf32>
        %parallel_loop3A_713 = arith.constant 3 : i32
        %parallel_loop3A_714 = arith.addi %parallel_loop3A_674, %parallel_loop3A_713 : i32
        %parallel_loop3A_715 = arith.index_cast %parallel_loop3A_714 : i32 to index
        %parallel_loop3A_716 = arith.constant 0 : index
        %parallel_loop3A_717 = tpu.vector_load %arg7[%parallel_loop3A_715, %parallel_loop3A_716] {strides = array<i32>} : memref<808x32xf32, #tpu.memory_space<vmem>>, vector<1x16xf32>,
        %parallel_loop3A_718 = vector.shape_cast %parallel_loop3A_717 : vector<1x16xf32> to vector<16xf32>
        %parallel_loop3A_719 = arith.addf %parallel_loop3A_669, %parallel_loop3A_718 : vector<16xf32>
        %parallel_loop3A_720 = arith.constant 3 : i32
        %parallel_loop3A_721 = arith.addi %parallel_loop3A_674, %parallel_loop3A_720 : i32
        %parallel_loop3A_722 = arith.index_cast %parallel_loop3A_721 : i32 to index
        %parallel_loop3A_723 = arith.constant 16 : index
        %parallel_loop3A_724 = tpu.vector_load %arg7[%parallel_loop3A_722, %parallel_loop3A_723] {strides = array<i32>} : memref<808x32xf32, #tpu.memory_space<vmem>>, vector<1x16xf32>,
        %parallel_loop3A_725 = vector.shape_cast %parallel_loop3A_724 : vector<1x16xf32> to vector<16xf32>
        %parallel_loop3A_726 = arith.addf %parallel_loop3A_670, %parallel_loop3A_725 : vector<16xf32>
        scf.yield %parallel_loop3A_679, %parallel_loop3A_684, %parallel_loop3A_691, %parallel_loop3A_698, %parallel_loop3A_705, %parallel_loop3A_712, %parallel_loop3A_719, %parallel_loop3A_726 : vector<16xf32>, vector<16xf32>, vector<16xf32>, vector<16xf32>, vector<16xf32>, vector<16xf32>, vector<16xf32>, vector<16xf32>
      } {sc.loop_unroll_factor = 2 : i64, sc.parallel_access}
      %add3A_292 = arith.addf %parallel_loop3A_291#0, %parallel_loop3A_291#2 : vector<16xf32>
      %add3A_293 = arith.addf %parallel_loop3A_291#4, %parallel_loop3A_291#6 : vector<16xf32>
      %add3A_294 = arith.addf %add3A_292, %add3A_293 : vector<16xf32>
      %mul3A_295 = arith.constant 4 : i32
      %mul3A_296 = arith.muli %mul3A_153, %mul3A_295 : i32
      %add3A_297 = arith.constant 0 : i32
      %add3A_298 = arith.addi %mul3A_296, %add3A_297 : i32
      %swap3A = arith.index_cast %add3A_298 : i32 to index
      %swap3A_299 = arith.constant 0 : index
      %swap3A_300 = tpu.vector_load %arg9[%swap3A, %swap3A_299] {strides = array<i32>} : memref<512x32xf32, #tpu.memory_space<vmem>>, vector<1x16xf32>,
      %swap3A_301 = vector.shape_cast %swap3A_300 : vector<1x16xf32> to vector<16xf32>
      %swap3A_302 = vector.shape_cast %add3A_294 : vector<16xf32> to vector<1x16xf32>
      tpu.vector_store %arg9[%swap3A, %swap3A_299], %swap3A_302 {strides = array<i32>} : memref<512x32xf32, #tpu.memory_space<vmem>>, vector<1x16xf32>,
      %add3A_303 = arith.addf %parallel_loop3A_291#1, %parallel_loop3A_291#3 : vector<16xf32>
      %add3A_304 = arith.addf %parallel_loop3A_291#5, %parallel_loop3A_291#7 : vector<16xf32>
      %add3A_305 = arith.addf %add3A_303, %add3A_304 : vector<16xf32>
      %mul3A_306 = arith.constant 4 : i32
      %mul3A_307 = arith.muli %mul3A_153, %mul3A_306 : i32
      %add3A_308 = arith.constant 0 : i32
      %add3A_309 = arith.addi %mul3A_307, %add3A_308 : i32
      %swap3A_310 = arith.index_cast %add3A_309 : i32 to index
      %swap3A_311 = arith.constant 16 : index
      %swap3A_312 = tpu.vector_load %arg9[%swap3A_310, %swap3A_311] {strides = array<i32>} : memref<512x32xf32, #tpu.memory_space<vmem>>, vector<1x16xf32>,
      %swap3A_313 = vector.shape_cast %swap3A_312 : vector<1x16xf32> to vector<16xf32>
      %swap3A_314 = vector.shape_cast %add3A_305 : vector<16xf32> to vector<1x16xf32>
      tpu.vector_store %arg9[%swap3A_310, %swap3A_311], %swap3A_314 {strides = array<i32>} : memref<512x32xf32, #tpu.memory_space<vmem>>, vector<1x16xf32>,
      %broadcast_in_dim3A_315 = arith.constant 0.000000e+00 : f32
      %broadcast_in_dim3A_316 = vector.broadcast %broadcast_in_dim3A_315 : f32 to vector<16xf32>
      %parallel_loop3A_317 = arith.constant 0 : i32
      %parallel_loop3A_318 = arith.constant 50 : i32
      %parallel_loop3A_319 = arith.constant 1 : i32
      %parallel_loop3A_320:8 = scf.for %parallel_loop3A_662 = %parallel_loop3A_317 to %parallel_loop3A_318 step %parallel_loop3A_319 iter_args(%parallel_loop3A_663 = %broadcast_in_dim3A_316, %parallel_loop3A_664 = %broadcast_in_dim3A_316, %parallel_loop3A_665 = %broadcast_in_dim3A_316, %parallel_loop3A_666 = %broadcast_in_dim3A_316, %parallel_loop3A_667 = %broadcast_in_dim3A_316, %parallel_loop3A_668 = %broadcast_in_dim3A_316, %parallel_loop3A_669 = %broadcast_in_dim3A_316, %parallel_loop3A_670 = %broadcast_in_dim3A_316) -> (vector<16xf32>, vector<16xf32>, vector<16xf32>, vector<16xf32>, vector<16xf32>, vector<16xf32>, vector<16xf32>, vector<16xf32>)  : i32 {
        %parallel_loop3A_671 = arith.constant 4 : i32
        %parallel_loop3A_672 = arith.muli %parallel_loop3A_662, %parallel_loop3A_671 : i32
        %parallel_loop3A_673 = arith.constant 202 : i32
        %parallel_loop3A_674 = arith.addi %parallel_loop3A_673, %parallel_loop3A_672 : i32
        %parallel_loop3A_675 = arith.index_cast %parallel_loop3A_674 : i32 to index
        %parallel_loop3A_676 = arith.constant 0 : index
        %parallel_loop3A_677 = tpu.vector_load %arg7[%parallel_loop3A_675, %parallel_loop3A_676] {strides = array<i32>} : memref<808x32xf32, #tpu.memory_space<vmem>>, vector<1x16xf32>,
        %parallel_loop3A_678 = vector.shape_cast %parallel_loop3A_677 : vector<1x16xf32> to vector<16xf32>
        %parallel_loop3A_679 = arith.addf %parallel_loop3A_663, %parallel_loop3A_678 : vector<16xf32>
        %parallel_loop3A_680 = arith.index_cast %parallel_loop3A_674 : i32 to index
        %parallel_loop3A_681 = arith.constant 16 : index
        %parallel_loop3A_682 = tpu.vector_load %arg7[%parallel_loop3A_680, %parallel_loop3A_681] {strides = array<i32>} : memref<808x32xf32, #tpu.memory_space<vmem>>, vector<1x16xf32>,
        %parallel_loop3A_683 = vector.shape_cast %parallel_loop3A_682 : vector<1x16xf32> to vector<16xf32>
        %parallel_loop3A_684 = arith.addf %parallel_loop3A_664, %parallel_loop3A_683 : vector<16xf32>
        %parallel_loop3A_685 = arith.constant 1 : i32
        %parallel_loop3A_686 = arith.addi %parallel_loop3A_674, %parallel_loop3A_685 : i32
        %parallel_loop3A_687 = arith.index_cast %parallel_loop3A_686 : i32 to index
        %parallel_loop3A_688 = arith.constant 0 : index
        %parallel_loop3A_689 = tpu.vector_load %arg7[%parallel_loop3A_687, %parallel_loop3A_688] {strides = array<i32>} : memref<808x32xf32, #tpu.memory_space<vmem>>, vector<1x16xf32>,
        %parallel_loop3A_690 = vector.shape_cast %parallel_loop3A_689 : vector<1x16xf32> to vector<16xf32>
        %parallel_loop3A_691 = arith.addf %parallel_loop3A_665, %parallel_loop3A_690 : vector<16xf32>
        %parallel_loop3A_692 = arith.constant 1 : i32
        %parallel_loop3A_693 = arith.addi %parallel_loop3A_674, %parallel_loop3A_692 : i32
        %parallel_loop3A_694 = arith.index_cast %parallel_loop3A_693 : i32 to index
        %parallel_loop3A_695 = arith.constant 16 : index
        %parallel_loop3A_696 = tpu.vector_load %arg7[%parallel_loop3A_694, %parallel_loop3A_695] {strides = array<i32>} : memref<808x32xf32, #tpu.memory_space<vmem>>, vector<1x16xf32>,
        %parallel_loop3A_697 = vector.shape_cast %parallel_loop3A_696 : vector<1x16xf32> to vector<16xf32>
        %parallel_loop3A_698 = arith.addf %parallel_loop3A_666, %parallel_loop3A_697 : vector<16xf32>
        %parallel_loop3A_699 = arith.constant 2 : i32
        %parallel_loop3A_700 = arith.addi %parallel_loop3A_674, %parallel_loop3A_699 : i32
        %parallel_loop3A_701 = arith.index_cast %parallel_loop3A_700 : i32 to index
        %parallel_loop3A_702 = arith.constant 0 : index
        %parallel_loop3A_703 = tpu.vector_load %arg7[%parallel_loop3A_701, %parallel_loop3A_702] {strides = array<i32>} : memref<808x32xf32, #tpu.memory_space<vmem>>, vector<1x16xf32>,
        %parallel_loop3A_704 = vector.shape_cast %parallel_loop3A_703 : vector<1x16xf32> to vector<16xf32>
        %parallel_loop3A_705 = arith.addf %parallel_loop3A_667, %parallel_loop3A_704 : vector<16xf32>
        %parallel_loop3A_706 = arith.constant 2 : i32
        %parallel_loop3A_707 = arith.addi %parallel_loop3A_674, %parallel_loop3A_706 : i32
        %parallel_loop3A_708 = arith.index_cast %parallel_loop3A_707 : i32 to index
        %parallel_loop3A_709 = arith.constant 16 : index
        %parallel_loop3A_710 = tpu.vector_load %arg7[%parallel_loop3A_708, %parallel_loop3A_709] {strides = array<i32>} : memref<808x32xf32, #tpu.memory_space<vmem>>, vector<1x16xf32>,
        %parallel_loop3A_711 = vector.shape_cast %parallel_loop3A_710 : vector<1x16xf32> to vector<16xf32>
        %parallel_loop3A_712 = arith.addf %parallel_loop3A_668, %parallel_loop3A_711 : vector<16xf32>
        %parallel_loop3A_713 = arith.constant 3 : i32
        %parallel_loop3A_714 = arith.addi %parallel_loop3A_674, %parallel_loop3A_713 : i32
        %parallel_loop3A_715 = arith.index_cast %parallel_loop3A_714 : i32 to index
        %parallel_loop3A_716 = arith.constant 0 : index
        %parallel_loop3A_717 = tpu.vector_load %arg7[%parallel_loop3A_715, %parallel_loop3A_716] {strides = array<i32>} : memref<808x32xf32, #tpu.memory_space<vmem>>, vector<1x16xf32>,
        %parallel_loop3A_718 = vector.shape_cast %parallel_loop3A_717 : vector<1x16xf32> to vector<16xf32>
        %parallel_loop3A_719 = arith.addf %parallel_loop3A_669, %parallel_loop3A_718 : vector<16xf32>
        %parallel_loop3A_720 = arith.constant 3 : i32
        %parallel_loop3A_721 = arith.addi %parallel_loop3A_674, %parallel_loop3A_720 : i32
        %parallel_loop3A_722 = arith.index_cast %parallel_loop3A_721 : i32 to index
        %parallel_loop3A_723 = arith.constant 16 : index
        %parallel_loop3A_724 = tpu.vector_load %arg7[%parallel_loop3A_722, %parallel_loop3A_723] {strides = array<i32>} : memref<808x32xf32, #tpu.memory_space<vmem>>, vector<1x16xf32>,
        %parallel_loop3A_725 = vector.shape_cast %parallel_loop3A_724 : vector<1x16xf32> to vector<16xf32>
        %parallel_loop3A_726 = arith.addf %parallel_loop3A_670, %parallel_loop3A_725 : vector<16xf32>
        scf.yield %parallel_loop3A_679, %parallel_loop3A_684, %parallel_loop3A_691, %parallel_loop3A_698, %parallel_loop3A_705, %parallel_loop3A_712, %parallel_loop3A_719, %parallel_loop3A_726 : vector<16xf32>, vector<16xf32>, vector<16xf32>, vector<16xf32>, vector<16xf32>, vector<16xf32>, vector<16xf32>, vector<16xf32>
      } {sc.loop_unroll_factor = 2 : i64, sc.parallel_access}
      %add3A_321 = arith.addf %parallel_loop3A_320#0, %parallel_loop3A_320#2 : vector<16xf32>
      %add3A_322 = arith.addf %parallel_loop3A_320#4, %parallel_loop3A_320#6 : vector<16xf32>
      %add3A_323 = arith.addf %add3A_321, %add3A_322 : vector<16xf32>
      %mul3A_324 = arith.constant 4 : i32
      %mul3A_325 = arith.muli %mul3A_153, %mul3A_324 : i32
      %add3A_326 = arith.constant 1 : i32
      %add3A_327 = arith.addi %mul3A_325, %add3A_326 : i32
      %swap3A_328 = arith.index_cast %add3A_327 : i32 to index
      %swap3A_329 = arith.constant 0 : index
      %swap3A_330 = tpu.vector_load %arg9[%swap3A_328, %swap3A_329] {strides = array<i32>} : memref<512x32xf32, #tpu.memory_space<vmem>>, vector<1x16xf32>,
      %swap3A_331 = vector.shape_cast %swap3A_330 : vector<1x16xf32> to vector<16xf32>
      %swap3A_332 = vector.shape_cast %add3A_323 : vector<16xf32> to vector<1x16xf32>
      tpu.vector_store %arg9[%swap3A_328, %swap3A_329], %swap3A_332 {strides = array<i32>} : memref<512x32xf32, #tpu.memory_space<vmem>>, vector<1x16xf32>,
      %add3A_333 = arith.addf %parallel_loop3A_320#1, %parallel_loop3A_320#3 : vector<16xf32>
      %add3A_334 = arith.addf %parallel_loop3A_320#5, %parallel_loop3A_320#7 : vector<16xf32>
      %add3A_335 = arith.addf %add3A_333, %add3A_334 : vector<16xf32>
      %mul3A_336 = arith.constant 4 : i32
      %mul3A_337 = arith.muli %mul3A_153, %mul3A_336 : i32
      %add3A_338 = arith.constant 1 : i32
      %add3A_339 = arith.addi %mul3A_337, %add3A_338 : i32
      %swap3A_340 = arith.index_cast %add3A_339 : i32 to index
      %swap3A_341 = arith.constant 16 : index
      %swap3A_342 = tpu.vector_load %arg9[%swap3A_340, %swap3A_341] {strides = array<i32>} : memref<512x32xf32, #tpu.memory_space<vmem>>, vector<1x16xf32>,
      %swap3A_343 = vector.shape_cast %swap3A_342 : vector<1x16xf32> to vector<16xf32>
      %swap3A_344 = vector.shape_cast %add3A_335 : vector<16xf32> to vector<1x16xf32>
      tpu.vector_store %arg9[%swap3A_340, %swap3A_341], %swap3A_344 {strides = array<i32>} : memref<512x32xf32, #tpu.memory_space<vmem>>, vector<1x16xf32>,
      %broadcast_in_dim3A_345 = arith.constant 0.000000e+00 : f32
      %broadcast_in_dim3A_346 = vector.broadcast %broadcast_in_dim3A_345 : f32 to vector<16xf32>
      %parallel_loop3A_347 = arith.constant 0 : i32
      %parallel_loop3A_348 = arith.constant 50 : i32
      %parallel_loop3A_349 = arith.constant 1 : i32
      %parallel_loop3A_350:8 = scf.for %parallel_loop3A_662 = %parallel_loop3A_347 to %parallel_loop3A_348 step %parallel_loop3A_349 iter_args(%parallel_loop3A_663 = %broadcast_in_dim3A_346, %parallel_loop3A_664 = %broadcast_in_dim3A_346, %parallel_loop3A_665 = %broadcast_in_dim3A_346, %parallel_loop3A_666 = %broadcast_in_dim3A_346, %parallel_loop3A_667 = %broadcast_in_dim3A_346, %parallel_loop3A_668 = %broadcast_in_dim3A_346, %parallel_loop3A_669 = %broadcast_in_dim3A_346, %parallel_loop3A_670 = %broadcast_in_dim3A_346) -> (vector<16xf32>, vector<16xf32>, vector<16xf32>, vector<16xf32>, vector<16xf32>, vector<16xf32>, vector<16xf32>, vector<16xf32>)  : i32 {
        %parallel_loop3A_671 = arith.constant 4 : i32
        %parallel_loop3A_672 = arith.muli %parallel_loop3A_662, %parallel_loop3A_671 : i32
        %parallel_loop3A_673 = arith.constant 404 : i32
        %parallel_loop3A_674 = arith.addi %parallel_loop3A_673, %parallel_loop3A_672 : i32
        %parallel_loop3A_675 = arith.index_cast %parallel_loop3A_674 : i32 to index
        %parallel_loop3A_676 = arith.constant 0 : index
        %parallel_loop3A_677 = tpu.vector_load %arg7[%parallel_loop3A_675, %parallel_loop3A_676] {strides = array<i32>} : memref<808x32xf32, #tpu.memory_space<vmem>>, vector<1x16xf32>,
        %parallel_loop3A_678 = vector.shape_cast %parallel_loop3A_677 : vector<1x16xf32> to vector<16xf32>
        %parallel_loop3A_679 = arith.addf %parallel_loop3A_663, %parallel_loop3A_678 : vector<16xf32>
        %parallel_loop3A_680 = arith.index_cast %parallel_loop3A_674 : i32 to index
        %parallel_loop3A_681 = arith.constant 16 : index
        %parallel_loop3A_682 = tpu.vector_load %arg7[%parallel_loop3A_680, %parallel_loop3A_681] {strides = array<i32>} : memref<808x32xf32, #tpu.memory_space<vmem>>, vector<1x16xf32>,
        %parallel_loop3A_683 = vector.shape_cast %parallel_loop3A_682 : vector<1x16xf32> to vector<16xf32>
        %parallel_loop3A_684 = arith.addf %parallel_loop3A_664, %parallel_loop3A_683 : vector<16xf32>
        %parallel_loop3A_685 = arith.constant 1 : i32
        %parallel_loop3A_686 = arith.addi %parallel_loop3A_674, %parallel_loop3A_685 : i32
        %parallel_loop3A_687 = arith.index_cast %parallel_loop3A_686 : i32 to index
        %parallel_loop3A_688 = arith.constant 0 : index
        %parallel_loop3A_689 = tpu.vector_load %arg7[%parallel_loop3A_687, %parallel_loop3A_688] {strides = array<i32>} : memref<808x32xf32, #tpu.memory_space<vmem>>, vector<1x16xf32>,
        %parallel_loop3A_690 = vector.shape_cast %parallel_loop3A_689 : vector<1x16xf32> to vector<16xf32>
        %parallel_loop3A_691 = arith.addf %parallel_loop3A_665, %parallel_loop3A_690 : vector<16xf32>
        %parallel_loop3A_692 = arith.constant 1 : i32
        %parallel_loop3A_693 = arith.addi %parallel_loop3A_674, %parallel_loop3A_692 : i32
        %parallel_loop3A_694 = arith.index_cast %parallel_loop3A_693 : i32 to index
        %parallel_loop3A_695 = arith.constant 16 : index
        %parallel_loop3A_696 = tpu.vector_load %arg7[%parallel_loop3A_694, %parallel_loop3A_695] {strides = array<i32>} : memref<808x32xf32, #tpu.memory_space<vmem>>, vector<1x16xf32>,
        %parallel_loop3A_697 = vector.shape_cast %parallel_loop3A_696 : vector<1x16xf32> to vector<16xf32>
        %parallel_loop3A_698 = arith.addf %parallel_loop3A_666, %parallel_loop3A_697 : vector<16xf32>
        %parallel_loop3A_699 = arith.constant 2 : i32
        %parallel_loop3A_700 = arith.addi %parallel_loop3A_674, %parallel_loop3A_699 : i32
        %parallel_loop3A_701 = arith.index_cast %parallel_loop3A_700 : i32 to index
        %parallel_loop3A_702 = arith.constant 0 : index
        %parallel_loop3A_703 = tpu.vector_load %arg7[%parallel_loop3A_701, %parallel_loop3A_702] {strides = array<i32>} : memref<808x32xf32, #tpu.memory_space<vmem>>, vector<1x16xf32>,
        %parallel_loop3A_704 = vector.shape_cast %parallel_loop3A_703 : vector<1x16xf32> to vector<16xf32>
        %parallel_loop3A_705 = arith.addf %parallel_loop3A_667, %parallel_loop3A_704 : vector<16xf32>
        %parallel_loop3A_706 = arith.constant 2 : i32
        %parallel_loop3A_707 = arith.addi %parallel_loop3A_674, %parallel_loop3A_706 : i32
        %parallel_loop3A_708 = arith.index_cast %parallel_loop3A_707 : i32 to index
        %parallel_loop3A_709 = arith.constant 16 : index
        %parallel_loop3A_710 = tpu.vector_load %arg7[%parallel_loop3A_708, %parallel_loop3A_709] {strides = array<i32>} : memref<808x32xf32, #tpu.memory_space<vmem>>, vector<1x16xf32>,
        %parallel_loop3A_711 = vector.shape_cast %parallel_loop3A_710 : vector<1x16xf32> to vector<16xf32>
        %parallel_loop3A_712 = arith.addf %parallel_loop3A_668, %parallel_loop3A_711 : vector<16xf32>
        %parallel_loop3A_713 = arith.constant 3 : i32
        %parallel_loop3A_714 = arith.addi %parallel_loop3A_674, %parallel_loop3A_713 : i32
        %parallel_loop3A_715 = arith.index_cast %parallel_loop3A_714 : i32 to index
        %parallel_loop3A_716 = arith.constant 0 : index
        %parallel_loop3A_717 = tpu.vector_load %arg7[%parallel_loop3A_715, %parallel_loop3A_716] {strides = array<i32>} : memref<808x32xf32, #tpu.memory_space<vmem>>, vector<1x16xf32>,
        %parallel_loop3A_718 = vector.shape_cast %parallel_loop3A_717 : vector<1x16xf32> to vector<16xf32>
        %parallel_loop3A_719 = arith.addf %parallel_loop3A_669, %parallel_loop3A_718 : vector<16xf32>
        %parallel_loop3A_720 = arith.constant 3 : i32
        %parallel_loop3A_721 = arith.addi %parallel_loop3A_674, %parallel_loop3A_720 : i32
        %parallel_loop3A_722 = arith.index_cast %parallel_loop3A_721 : i32 to index
        %parallel_loop3A_723 = arith.constant 16 : index
        %parallel_loop3A_724 = tpu.vector_load %arg7[%parallel_loop3A_722, %parallel_loop3A_723] {strides = array<i32>} : memref<808x32xf32, #tpu.memory_space<vmem>>, vector<1x16xf32>,
        %parallel_loop3A_725 = vector.shape_cast %parallel_loop3A_724 : vector<1x16xf32> to vector<16xf32>
        %parallel_loop3A_726 = arith.addf %parallel_loop3A_670, %parallel_loop3A_725 : vector<16xf32>
        scf.yield %parallel_loop3A_679, %parallel_loop3A_684, %parallel_loop3A_691, %parallel_loop3A_698, %parallel_loop3A_705, %parallel_loop3A_712, %parallel_loop3A_719, %parallel_loop3A_726 : vector<16xf32>, vector<16xf32>, vector<16xf32>, vector<16xf32>, vector<16xf32>, vector<16xf32>, vector<16xf32>, vector<16xf32>
      } {sc.loop_unroll_factor = 2 : i64, sc.parallel_access}
      %add3A_351 = arith.addf %parallel_loop3A_350#0, %parallel_loop3A_350#2 : vector<16xf32>
      %add3A_352 = arith.addf %parallel_loop3A_350#4, %parallel_loop3A_350#6 : vector<16xf32>
      %add3A_353 = arith.addf %add3A_351, %add3A_352 : vector<16xf32>
      %mul3A_354 = arith.constant 4 : i32
      %mul3A_355 = arith.muli %mul3A_153, %mul3A_354 : i32
      %add3A_356 = arith.constant 2 : i32
      %add3A_357 = arith.addi %mul3A_355, %add3A_356 : i32
      %swap3A_358 = arith.index_cast %add3A_357 : i32 to index
      %swap3A_359 = arith.constant 0 : index
      %swap3A_360 = tpu.vector_load %arg9[%swap3A_358, %swap3A_359] {strides = array<i32>} : memref<512x32xf32, #tpu.memory_space<vmem>>, vector<1x16xf32>,
      %swap3A_361 = vector.shape_cast %swap3A_360 : vector<1x16xf32> to vector<16xf32>
      %swap3A_362 = vector.shape_cast %add3A_353 : vector<16xf32> to vector<1x16xf32>
      tpu.vector_store %arg9[%swap3A_358, %swap3A_359], %swap3A_362 {strides = array<i32>} : memref<512x32xf32, #tpu.memory_space<vmem>>, vector<1x16xf32>,
      %add3A_363 = arith.addf %parallel_loop3A_350#1, %parallel_loop3A_350#3 : vector<16xf32>
      %add3A_364 = arith.addf %parallel_loop3A_350#5, %parallel_loop3A_350#7 : vector<16xf32>
      %add3A_365 = arith.addf %add3A_363, %add3A_364 : vector<16xf32>
      %mul3A_366 = arith.constant 4 : i32
      %mul3A_367 = arith.muli %mul3A_153, %mul3A_366 : i32
      %add3A_368 = arith.constant 2 : i32
      %add3A_369 = arith.addi %mul3A_367, %add3A_368 : i32
      %swap3A_370 = arith.index_cast %add3A_369 : i32 to index
      %swap3A_371 = arith.constant 16 : index
      %swap3A_372 = tpu.vector_load %arg9[%swap3A_370, %swap3A_371] {strides = array<i32>} : memref<512x32xf32, #tpu.memory_space<vmem>>, vector<1x16xf32>,
      %swap3A_373 = vector.shape_cast %swap3A_372 : vector<1x16xf32> to vector<16xf32>
      %swap3A_374 = vector.shape_cast %add3A_365 : vector<16xf32> to vector<1x16xf32>
      tpu.vector_store %arg9[%swap3A_370, %swap3A_371], %swap3A_374 {strides = array<i32>} : memref<512x32xf32, #tpu.memory_space<vmem>>, vector<1x16xf32>,
      %broadcast_in_dim3A_375 = arith.constant 0.000000e+00 : f32
      %broadcast_in_dim3A_376 = vector.broadcast %broadcast_in_dim3A_375 : f32 to vector<16xf32>
      %parallel_loop3A_377 = arith.constant 0 : i32
      %parallel_loop3A_378 = arith.constant 50 : i32
      %parallel_loop3A_379 = arith.constant 1 : i32
      %parallel_loop3A_380:8 = scf.for %parallel_loop3A_662 = %parallel_loop3A_377 to %parallel_loop3A_378 step %parallel_loop3A_379 iter_args(%parallel_loop3A_663 = %broadcast_in_dim3A_376, %parallel_loop3A_664 = %broadcast_in_dim3A_376, %parallel_loop3A_665 = %broadcast_in_dim3A_376, %parallel_loop3A_666 = %broadcast_in_dim3A_376, %parallel_loop3A_667 = %broadcast_in_dim3A_376, %parallel_loop3A_668 = %broadcast_in_dim3A_376, %parallel_loop3A_669 = %broadcast_in_dim3A_376, %parallel_loop3A_670 = %broadcast_in_dim3A_376) -> (vector<16xf32>, vector<16xf32>, vector<16xf32>, vector<16xf32>, vector<16xf32>, vector<16xf32>, vector<16xf32>, vector<16xf32>)  : i32 {
        %parallel_loop3A_671 = arith.constant 4 : i32
        %parallel_loop3A_672 = arith.muli %parallel_loop3A_662, %parallel_loop3A_671 : i32
        %parallel_loop3A_673 = arith.constant 606 : i32
        %parallel_loop3A_674 = arith.addi %parallel_loop3A_673, %parallel_loop3A_672 : i32
        %parallel_loop3A_675 = arith.index_cast %parallel_loop3A_674 : i32 to index
        %parallel_loop3A_676 = arith.constant 0 : index
        %parallel_loop3A_677 = tpu.vector_load %arg7[%parallel_loop3A_675, %parallel_loop3A_676] {strides = array<i32>} : memref<808x32xf32, #tpu.memory_space<vmem>>, vector<1x16xf32>,
        %parallel_loop3A_678 = vector.shape_cast %parallel_loop3A_677 : vector<1x16xf32> to vector<16xf32>
        %parallel_loop3A_679 = arith.addf %parallel_loop3A_663, %parallel_loop3A_678 : vector<16xf32>
        %parallel_loop3A_680 = arith.index_cast %parallel_loop3A_674 : i32 to index
        %parallel_loop3A_681 = arith.constant 16 : index
        %parallel_loop3A_682 = tpu.vector_load %arg7[%parallel_loop3A_680, %parallel_loop3A_681] {strides = array<i32>} : memref<808x32xf32, #tpu.memory_space<vmem>>, vector<1x16xf32>,
        %parallel_loop3A_683 = vector.shape_cast %parallel_loop3A_682 : vector<1x16xf32> to vector<16xf32>
        %parallel_loop3A_684 = arith.addf %parallel_loop3A_664, %parallel_loop3A_683 : vector<16xf32>
        %parallel_loop3A_685 = arith.constant 1 : i32
        %parallel_loop3A_686 = arith.addi %parallel_loop3A_674, %parallel_loop3A_685 : i32
        %parallel_loop3A_687 = arith.index_cast %parallel_loop3A_686 : i32 to index
        %parallel_loop3A_688 = arith.constant 0 : index
        %parallel_loop3A_689 = tpu.vector_load %arg7[%parallel_loop3A_687, %parallel_loop3A_688] {strides = array<i32>} : memref<808x32xf32, #tpu.memory_space<vmem>>, vector<1x16xf32>,
        %parallel_loop3A_690 = vector.shape_cast %parallel_loop3A_689 : vector<1x16xf32> to vector<16xf32>
        %parallel_loop3A_691 = arith.addf %parallel_loop3A_665, %parallel_loop3A_690 : vector<16xf32>
        %parallel_loop3A_692 = arith.constant 1 : i32
        %parallel_loop3A_693 = arith.addi %parallel_loop3A_674, %parallel_loop3A_692 : i32
        %parallel_loop3A_694 = arith.index_cast %parallel_loop3A_693 : i32 to index
        %parallel_loop3A_695 = arith.constant 16 : index
        %parallel_loop3A_696 = tpu.vector_load %arg7[%parallel_loop3A_694, %parallel_loop3A_695] {strides = array<i32>} : memref<808x32xf32, #tpu.memory_space<vmem>>, vector<1x16xf32>,
        %parallel_loop3A_697 = vector.shape_cast %parallel_loop3A_696 : vector<1x16xf32> to vector<16xf32>
        %parallel_loop3A_698 = arith.addf %parallel_loop3A_666, %parallel_loop3A_697 : vector<16xf32>
        %parallel_loop3A_699 = arith.constant 2 : i32
        %parallel_loop3A_700 = arith.addi %parallel_loop3A_674, %parallel_loop3A_699 : i32
        %parallel_loop3A_701 = arith.index_cast %parallel_loop3A_700 : i32 to index
        %parallel_loop3A_702 = arith.constant 0 : index
        %parallel_loop3A_703 = tpu.vector_load %arg7[%parallel_loop3A_701, %parallel_loop3A_702] {strides = array<i32>} : memref<808x32xf32, #tpu.memory_space<vmem>>, vector<1x16xf32>,
        %parallel_loop3A_704 = vector.shape_cast %parallel_loop3A_703 : vector<1x16xf32> to vector<16xf32>
        %parallel_loop3A_705 = arith.addf %parallel_loop3A_667, %parallel_loop3A_704 : vector<16xf32>
        %parallel_loop3A_706 = arith.constant 2 : i32
        %parallel_loop3A_707 = arith.addi %parallel_loop3A_674, %parallel_loop3A_706 : i32
        %parallel_loop3A_708 = arith.index_cast %parallel_loop3A_707 : i32 to index
        %parallel_loop3A_709 = arith.constant 16 : index
        %parallel_loop3A_710 = tpu.vector_load %arg7[%parallel_loop3A_708, %parallel_loop3A_709] {strides = array<i32>} : memref<808x32xf32, #tpu.memory_space<vmem>>, vector<1x16xf32>,
        %parallel_loop3A_711 = vector.shape_cast %parallel_loop3A_710 : vector<1x16xf32> to vector<16xf32>
        %parallel_loop3A_712 = arith.addf %parallel_loop3A_668, %parallel_loop3A_711 : vector<16xf32>
        %parallel_loop3A_713 = arith.constant 3 : i32
        %parallel_loop3A_714 = arith.addi %parallel_loop3A_674, %parallel_loop3A_713 : i32
        %parallel_loop3A_715 = arith.index_cast %parallel_loop3A_714 : i32 to index
        %parallel_loop3A_716 = arith.constant 0 : index
        %parallel_loop3A_717 = tpu.vector_load %arg7[%parallel_loop3A_715, %parallel_loop3A_716] {strides = array<i32>} : memref<808x32xf32, #tpu.memory_space<vmem>>, vector<1x16xf32>,
        %parallel_loop3A_718 = vector.shape_cast %parallel_loop3A_717 : vector<1x16xf32> to vector<16xf32>
        %parallel_loop3A_719 = arith.addf %parallel_loop3A_669, %parallel_loop3A_718 : vector<16xf32>
        %parallel_loop3A_720 = arith.constant 3 : i32
        %parallel_loop3A_721 = arith.addi %parallel_loop3A_674, %parallel_loop3A_720 : i32
        %parallel_loop3A_722 = arith.index_cast %parallel_loop3A_721 : i32 to index
        %parallel_loop3A_723 = arith.constant 16 : index
        %parallel_loop3A_724 = tpu.vector_load %arg7[%parallel_loop3A_722, %parallel_loop3A_723] {strides = array<i32>} : memref<808x32xf32, #tpu.memory_space<vmem>>, vector<1x16xf32>,
        %parallel_loop3A_725 = vector.shape_cast %parallel_loop3A_724 : vector<1x16xf32> to vector<16xf32>
        %parallel_loop3A_726 = arith.addf %parallel_loop3A_670, %parallel_loop3A_725 : vector<16xf32>
        scf.yield %parallel_loop3A_679, %parallel_loop3A_684, %parallel_loop3A_691, %parallel_loop3A_698, %parallel_loop3A_705, %parallel_loop3A_712, %parallel_loop3A_719, %parallel_loop3A_726 : vector<16xf32>, vector<16xf32>, vector<16xf32>, vector<16xf32>, vector<16xf32>, vector<16xf32>, vector<16xf32>, vector<16xf32>
      } {sc.loop_unroll_factor = 2 : i64, sc.parallel_access}
      %add3A_381 = arith.addf %parallel_loop3A_380#0, %parallel_loop3A_380#2 : vector<16xf32>
      %add3A_382 = arith.addf %parallel_loop3A_380#4, %parallel_loop3A_380#6 : vector<16xf32>
      %add3A_383 = arith.addf %add3A_381, %add3A_382 : vector<16xf32>
      %mul3A_384 = arith.constant 4 : i32
      %mul3A_385 = arith.muli %mul3A_153, %mul3A_384 : i32
      %add3A_386 = arith.constant 3 : i32
      %add3A_387 = arith.addi %mul3A_385, %add3A_386 : i32
      %swap3A_388 = arith.index_cast %add3A_387 : i32 to index
      %swap3A_389 = arith.constant 0 : index
      %swap3A_390 = tpu.vector_load %arg9[%swap3A_388, %swap3A_389] {strides = array<i32>} : memref<512x32xf32, #tpu.memory_space<vmem>>, vector<1x16xf32>,
      %swap3A_391 = vector.shape_cast %swap3A_390 : vector<1x16xf32> to vector<16xf32>
      %swap3A_392 = vector.shape_cast %add3A_383 : vector<16xf32> to vector<1x16xf32>
      tpu.vector_store %arg9[%swap3A_388, %swap3A_389], %swap3A_392 {strides = array<i32>} : memref<512x32xf32, #tpu.memory_space<vmem>>, vector<1x16xf32>,
      %add3A_393 = arith.addf %parallel_loop3A_380#1, %parallel_loop3A_380#3 : vector<16xf32>
      %add3A_394 = arith.addf %parallel_loop3A_380#5, %parallel_loop3A_380#7 : vector<16xf32>
      %add3A_395 = arith.addf %add3A_393, %add3A_394 : vector<16xf32>
      %mul3A_396 = arith.constant 4 : i32
      %mul3A_397 = arith.muli %mul3A_153, %mul3A_396 : i32
      %add3A_398 = arith.constant 3 : i32
      %add3A_399 = arith.addi %mul3A_397, %add3A_398 : i32
      %swap3A_400 = arith.index_cast %add3A_399 : i32 to index
      %swap3A_401 = arith.constant 16 : index
      %swap3A_402 = tpu.vector_load %arg9[%swap3A_400, %swap3A_401] {strides = array<i32>} : memref<512x32xf32, #tpu.memory_space<vmem>>, vector<1x16xf32>,
      %swap3A_403 = vector.shape_cast %swap3A_402 : vector<1x16xf32> to vector<16xf32>
      %swap3A_404 = vector.shape_cast %add3A_395 : vector<16xf32> to vector<1x16xf32>
      tpu.vector_store %arg9[%swap3A_400, %swap3A_401], %swap3A_404 {strides = array<i32>} : memref<512x32xf32, #tpu.memory_space<vmem>>, vector<1x16xf32>,
      %dma_wait3A_405 = arith.constant 0 : i32
      %dma_wait3A_406 = arith.constant 0 : i32
      %dma_wait3A_407 = tpu.memref_slice %arg8[%dma_wait3A_405, %dma_wait3A_406] : memref<808x32xf32, #tpu.memory_space<vmem>> -> memref<128x32xf32, #tpu.memory_space<vmem>>
      %dma_wait3A_408 = arith.constant 0 : i32
      %dma_wait3A_409 = tpu.memref_slice %arg6[%dma_wait3A_408] : memref<808xi32, #tpu.memory_space<vmem>> -> memref<128xi32, #tpu.memory_space<vmem>>
      %dma_wait3A_410 = arith.constant 0 : i32
      %dma_wait3A_411 = arith.constant 0 : i32
      %dma_wait3A_412 = tpu.memref_slice %arg3[%dma_wait3A_410, %dma_wait3A_411] : memref<1000000x32xf32, #tpu.memory_space<hbm>> -> memref<1000000x32xf32, #tpu.memory_space<hbm>>
      tpu.wait_indirect_dma semaphore(%arg11 : memref<!tpu.dma_semaphore, #tpu.memory_space<semaphore_mem>>) src(%dma_wait3A_412 : memref<1000000x32xf32, #tpu.memory_space<hbm>>) dst(%dma_wait3A_407 : memref<128x32xf32, #tpu.memory_space<vmem>>)
      %dma_wait3A_413 = arith.constant 128 : i32
      %dma_wait3A_414 = arith.constant 0 : i32
      %dma_wait3A_415 = tpu.memref_slice %arg8[%dma_wait3A_413, %dma_wait3A_414] : memref<808x32xf32, #tpu.memory_space<vmem>> -> memref<128x32xf32, #tpu.memory_space<vmem>>
      %dma_wait3A_416 = arith.constant 128 : i32
      %dma_wait3A_417 = tpu.memref_slice %arg6[%dma_wait3A_416] : memref<808xi32, #tpu.memory_space<vmem>> -> memref<128xi32, #tpu.memory_space<vmem>>
      %dma_wait3A_418 = arith.constant 0 : i32
      %dma_wait3A_419 = arith.constant 0 : i32
      %dma_wait3A_420 = tpu.memref_slice %arg3[%dma_wait3A_418, %dma_wait3A_419] : memref<1000000x32xf32, #tpu.memory_space<hbm>> -> memref<1000000x32xf32, #tpu.memory_space<hbm>>
      tpu.wait_indirect_dma semaphore(%arg11 : memref<!tpu.dma_semaphore, #tpu.memory_space<semaphore_mem>>) src(%dma_wait3A_420 : memref<1000000x32xf32, #tpu.memory_space<hbm>>) dst(%dma_wait3A_415 : memref<128x32xf32, #tpu.memory_space<vmem>>)
      %dma_wait3A_421 = arith.constant 256 : i32
      %dma_wait3A_422 = arith.constant 0 : i32
      %dma_wait3A_423 = tpu.memref_slice %arg8[%dma_wait3A_421, %dma_wait3A_422] : memref<808x32xf32, #tpu.memory_space<vmem>> -> memref<128x32xf32, #tpu.memory_space<vmem>>
      %dma_wait3A_424 = arith.constant 256 : i32
      %dma_wait3A_425 = tpu.memref_slice %arg6[%dma_wait3A_424] : memref<808xi32, #tpu.memory_space<vmem>> -> memref<128xi32, #tpu.memory_space<vmem>>
      %dma_wait3A_426 = arith.constant 0 : i32
      %dma_wait3A_427 = arith.constant 0 : i32
      %dma_wait3A_428 = tpu.memref_slice %arg3[%dma_wait3A_426, %dma_wait3A_427] : memref<1000000x32xf32, #tpu.memory_space<hbm>> -> memref<1000000x32xf32, #tpu.memory_space<hbm>>
      tpu.wait_indirect_dma semaphore(%arg11 : memref<!tpu.dma_semaphore, #tpu.memory_space<semaphore_mem>>) src(%dma_wait3A_428 : memref<1000000x32xf32, #tpu.memory_space<hbm>>) dst(%dma_wait3A_423 : memref<128x32xf32, #tpu.memory_space<vmem>>)
      %dma_wait3A_429 = arith.constant 384 : i32
      %dma_wait3A_430 = arith.constant 0 : i32
      %dma_wait3A_431 = tpu.memref_slice %arg8[%dma_wait3A_429, %dma_wait3A_430] : memref<808x32xf32, #tpu.memory_space<vmem>> -> memref<128x32xf32, #tpu.memory_space<vmem>>
      %dma_wait3A_432 = arith.constant 384 : i32
      %dma_wait3A_433 = tpu.memref_slice %arg6[%dma_wait3A_432] : memref<808xi32, #tpu.memory_space<vmem>> -> memref<128xi32, #tpu.memory_space<vmem>>
      %dma_wait3A_434 = arith.constant 0 : i32
      %dma_wait3A_435 = arith.constant 0 : i32
      %dma_wait3A_436 = tpu.memref_slice %arg3[%dma_wait3A_434, %dma_wait3A_435] : memref<1000000x32xf32, #tpu.memory_space<hbm>> -> memref<1000000x32xf32, #tpu.memory_space<hbm>>
      tpu.wait_indirect_dma semaphore(%arg11 : memref<!tpu.dma_semaphore, #tpu.memory_space<semaphore_mem>>) src(%dma_wait3A_436 : memref<1000000x32xf32, #tpu.memory_space<hbm>>) dst(%dma_wait3A_431 : memref<128x32xf32, #tpu.memory_space<vmem>>)
      %dma_wait3A_437 = arith.constant 512 : i32
      %dma_wait3A_438 = arith.constant 0 : i32
      %dma_wait3A_439 = tpu.memref_slice %arg8[%dma_wait3A_437, %dma_wait3A_438] : memref<808x32xf32, #tpu.memory_space<vmem>> -> memref<128x32xf32, #tpu.memory_space<vmem>>
      %dma_wait3A_440 = arith.constant 512 : i32
      %dma_wait3A_441 = tpu.memref_slice %arg6[%dma_wait3A_440] : memref<808xi32, #tpu.memory_space<vmem>> -> memref<128xi32, #tpu.memory_space<vmem>>
      %dma_wait3A_442 = arith.constant 0 : i32
      %dma_wait3A_443 = arith.constant 0 : i32
      %dma_wait3A_444 = tpu.memref_slice %arg3[%dma_wait3A_442, %dma_wait3A_443] : memref<1000000x32xf32, #tpu.memory_space<hbm>> -> memref<1000000x32xf32, #tpu.memory_space<hbm>>
      tpu.wait_indirect_dma semaphore(%arg11 : memref<!tpu.dma_semaphore, #tpu.memory_space<semaphore_mem>>) src(%dma_wait3A_444 : memref<1000000x32xf32, #tpu.memory_space<hbm>>) dst(%dma_wait3A_439 : memref<128x32xf32, #tpu.memory_space<vmem>>)
      %dma_wait3A_445 = arith.constant 640 : i32
      %dma_wait3A_446 = arith.constant 0 : i32
      %dma_wait3A_447 = tpu.memref_slice %arg8[%dma_wait3A_445, %dma_wait3A_446] : memref<808x32xf32, #tpu.memory_space<vmem>> -> memref<128x32xf32, #tpu.memory_space<vmem>>
      %dma_wait3A_448 = arith.constant 640 : i32
      %dma_wait3A_449 = tpu.memref_slice %arg6[%dma_wait3A_448] : memref<808xi32, #tpu.memory_space<vmem>> -> memref<128xi32, #tpu.memory_space<vmem>>
      %dma_wait3A_450 = arith.constant 0 : i32
      %dma_wait3A_451 = arith.constant 0 : i32
      %dma_wait3A_452 = tpu.memref_slice %arg3[%dma_wait3A_450, %dma_wait3A_451] : memref<1000000x32xf32, #tpu.memory_space<hbm>> -> memref<1000000x32xf32, #tpu.memory_space<hbm>>
      tpu.wait_indirect_dma semaphore(%arg11 : memref<!tpu.dma_semaphore, #tpu.memory_space<semaphore_mem>>) src(%dma_wait3A_452 : memref<1000000x32xf32, #tpu.memory_space<hbm>>) dst(%dma_wait3A_447 : memref<128x32xf32, #tpu.memory_space<vmem>>)
      %dma_wait3A_453 = arith.constant 768 : i32
      %dma_wait3A_454 = arith.constant 0 : i32
      %dma_wait3A_455 = tpu.memref_slice %arg8[%dma_wait3A_453, %dma_wait3A_454] : memref<808x32xf32, #tpu.memory_space<vmem>> -> memref<40x32xf32, #tpu.memory_space<vmem>>
      %dma_wait3A_456 = arith.constant 768 : i32
      %dma_wait3A_457 = tpu.memref_slice %arg6[%dma_wait3A_456] : memref<808xi32, #tpu.memory_space<vmem>> -> memref<40xi32, #tpu.memory_space<vmem>>
      %dma_wait3A_458 = arith.constant 0 : i32
      %dma_wait3A_459 = arith.constant 0 : i32
      %dma_wait3A_460 = tpu.memref_slice %arg3[%dma_wait3A_458, %dma_wait3A_459] : memref<1000000x32xf32, #tpu.memory_space<hbm>> -> memref<1000000x32xf32, #tpu.memory_space<hbm>>
      tpu.wait_indirect_dma semaphore(%arg11 : memref<!tpu.dma_semaphore, #tpu.memory_space<semaphore_mem>>) src(%dma_wait3A_460 : memref<1000000x32xf32, #tpu.memory_space<hbm>>) dst(%dma_wait3A_455 : memref<40x32xf32, #tpu.memory_space<vmem>>)
      %add3A_461 = arith.constant 3 : i32
      %add3A_462 = arith.addi %mul3A_153, %add3A_461 : i32
      %min3A_463 = arith.constant 127 : i32
      %min3A_464 = arith.minsi %add3A_462, %min3A_463 : i32
      %mul3A_465 = arith.constant 4 : i32
      %mul3A_466 = arith.muli %min3A_464, %mul3A_465 : i32
      %add3A_467 = arith.addi %mul3A_2, %mul3A_466 : i32
      %mul3A_468 = arith.constant 202 : i32
      %mul3A_469 = arith.muli %add3A_467, %mul3A_468 : i32
      %dma_start3A_470 = tpu.memref_slice %arg2[%mul3A_469] : memref<3309568xi32, #tpu.memory_space<hbm>> -> memref<808xi32, #tpu.memory_space<hbm>>
      %dma_start3A_471 = tpu.memref_slice %arg2[%mul3A_469] : memref<3309568xi32, #tpu.memory_space<hbm>> -> memref<808xi32, #tpu.memory_space<hbm>>
      tpu.enqueue_dma source(%dma_start3A_471 : memref<808xi32, #tpu.memory_space<hbm>>) target(%arg6 : memref<808xi32, #tpu.memory_space<vmem>>) target_semaphore(%arg13 : memref<!tpu.dma_semaphore, #tpu.memory_space<semaphore_mem>>)
      %add3A_472 = arith.constant 2 : i32
      %add3A_473 = arith.addi %mul3A_153, %add3A_472 : i32
      %min3A_474 = arith.constant 127 : i32
      %min3A_475 = arith.minsi %add3A_473, %min3A_474 : i32
      %mul3A_476 = arith.constant 4 : i32
      %mul3A_477 = arith.muli %min3A_475, %mul3A_476 : i32
      %add3A_478 = arith.addi %mul3A_2, %mul3A_477 : i32
      %mul3A_479 = arith.constant 202 : i32
      %mul3A_480 = arith.muli %add3A_478, %mul3A_479 : i32
      %dma_wait3A_481 = tpu.memref_slice %arg2[%mul3A_480] : memref<3309568xi32, #tpu.memory_space<hbm>> -> memref<808xi32, #tpu.memory_space<hbm>>
      %dma_wait3A_482 = tpu.memref_slice %arg2[%mul3A_480] : memref<3309568xi32, #tpu.memory_space<hbm>> -> memref<808xi32, #tpu.memory_space<hbm>>
      tpu.wait_dma2 semaphore(%arg12 : memref<!tpu.dma_semaphore, #tpu.memory_space<semaphore_mem>>) src(%dma_wait3A_482 : memref<808xi32, #tpu.memory_space<hbm>>) dst(%arg5 : memref<808xi32, #tpu.memory_space<vmem>>)
      %dma_start3A_483 = arith.constant 0 : i32
      %dma_start3A_484 = arith.constant 0 : i32
      %dma_start3A_485 = tpu.memref_slice %arg7[%dma_start3A_483, %dma_start3A_484] : memref<808x32xf32, #tpu.memory_space<vmem>> -> memref<128x32xf32, #tpu.memory_space<vmem>>
      %dma_start3A_486 = arith.constant 0 : i32
      %dma_start3A_487 = tpu.memref_slice %arg5[%dma_start3A_486] : memref<808xi32, #tpu.memory_space<vmem>> -> memref<128xi32, #tpu.memory_space<vmem>>
      %dma_start3A_488 = arith.constant 0 : i32
      %dma_start3A_489 = arith.constant 0 : i32
      %dma_start3A_490 = tpu.memref_slice %arg3[%dma_start3A_488, %dma_start3A_489] : memref<1000000x32xf32, #tpu.memory_space<hbm>> -> memref<1000000x32xf32, #tpu.memory_space<hbm>>
      tpu.enqueue_indirect_dma source(%dma_start3A_490 : memref<1000000x32xf32, #tpu.memory_space<hbm>>) target(%dma_start3A_485 : memref<128x32xf32, #tpu.memory_space<vmem>>) offsets(%dma_start3A_487 : memref<128xi32, #tpu.memory_space<vmem>>) semaphore(%arg10 : memref<!tpu.dma_semaphore, #tpu.memory_space<semaphore_mem>>)
      %dma_start3A_491 = arith.constant 128 : i32
      %dma_start3A_492 = arith.constant 0 : i32
      %dma_start3A_493 = tpu.memref_slice %arg7[%dma_start3A_491, %dma_start3A_492] : memref<808x32xf32, #tpu.memory_space<vmem>> -> memref<128x32xf32, #tpu.memory_space<vmem>>
      %dma_start3A_494 = arith.constant 128 : i32
      %dma_start3A_495 = tpu.memref_slice %arg5[%dma_start3A_494] : memref<808xi32, #tpu.memory_space<vmem>> -> memref<128xi32, #tpu.memory_space<vmem>>
      %dma_start3A_496 = arith.constant 0 : i32
      %dma_start3A_497 = arith.constant 0 : i32
      %dma_start3A_498 = tpu.memref_slice %arg3[%dma_start3A_496, %dma_start3A_497] : memref<1000000x32xf32, #tpu.memory_space<hbm>> -> memref<1000000x32xf32, #tpu.memory_space<hbm>>
      tpu.enqueue_indirect_dma source(%dma_start3A_498 : memref<1000000x32xf32, #tpu.memory_space<hbm>>) target(%dma_start3A_493 : memref<128x32xf32, #tpu.memory_space<vmem>>) offsets(%dma_start3A_495 : memref<128xi32, #tpu.memory_space<vmem>>) semaphore(%arg10 : memref<!tpu.dma_semaphore, #tpu.memory_space<semaphore_mem>>)
      %dma_start3A_499 = arith.constant 256 : i32
      %dma_start3A_500 = arith.constant 0 : i32
      %dma_start3A_501 = tpu.memref_slice %arg7[%dma_start3A_499, %dma_start3A_500] : memref<808x32xf32, #tpu.memory_space<vmem>> -> memref<128x32xf32, #tpu.memory_space<vmem>>
      %dma_start3A_502 = arith.constant 256 : i32
      %dma_start3A_503 = tpu.memref_slice %arg5[%dma_start3A_502] : memref<808xi32, #tpu.memory_space<vmem>> -> memref<128xi32, #tpu.memory_space<vmem>>
      %dma_start3A_504 = arith.constant 0 : i32
      %dma_start3A_505 = arith.constant 0 : i32
      %dma_start3A_506 = tpu.memref_slice %arg3[%dma_start3A_504, %dma_start3A_505] : memref<1000000x32xf32, #tpu.memory_space<hbm>> -> memref<1000000x32xf32, #tpu.memory_space<hbm>>
      tpu.enqueue_indirect_dma source(%dma_start3A_506 : memref<1000000x32xf32, #tpu.memory_space<hbm>>) target(%dma_start3A_501 : memref<128x32xf32, #tpu.memory_space<vmem>>) offsets(%dma_start3A_503 : memref<128xi32, #tpu.memory_space<vmem>>) semaphore(%arg10 : memref<!tpu.dma_semaphore, #tpu.memory_space<semaphore_mem>>)
      %dma_start3A_507 = arith.constant 384 : i32
      %dma_start3A_508 = arith.constant 0 : i32
      %dma_start3A_509 = tpu.memref_slice %arg7[%dma_start3A_507, %dma_start3A_508] : memref<808x32xf32, #tpu.memory_space<vmem>> -> memref<128x32xf32, #tpu.memory_space<vmem>>
      %dma_start3A_510 = arith.constant 384 : i32
      %dma_start3A_511 = tpu.memref_slice %arg5[%dma_start3A_510] : memref<808xi32, #tpu.memory_space<vmem>> -> memref<128xi32, #tpu.memory_space<vmem>>
      %dma_start3A_512 = arith.constant 0 : i32
      %dma_start3A_513 = arith.constant 0 : i32
      %dma_start3A_514 = tpu.memref_slice %arg3[%dma_start3A_512, %dma_start3A_513] : memref<1000000x32xf32, #tpu.memory_space<hbm>> -> memref<1000000x32xf32, #tpu.memory_space<hbm>>
      tpu.enqueue_indirect_dma source(%dma_start3A_514 : memref<1000000x32xf32, #tpu.memory_space<hbm>>) target(%dma_start3A_509 : memref<128x32xf32, #tpu.memory_space<vmem>>) offsets(%dma_start3A_511 : memref<128xi32, #tpu.memory_space<vmem>>) semaphore(%arg10 : memref<!tpu.dma_semaphore, #tpu.memory_space<semaphore_mem>>)
      %dma_start3A_515 = arith.constant 512 : i32
      %dma_start3A_516 = arith.constant 0 : i32
      %dma_start3A_517 = tpu.memref_slice %arg7[%dma_start3A_515, %dma_start3A_516] : memref<808x32xf32, #tpu.memory_space<vmem>> -> memref<128x32xf32, #tpu.memory_space<vmem>>
      %dma_start3A_518 = arith.constant 512 : i32
      %dma_start3A_519 = tpu.memref_slice %arg5[%dma_start3A_518] : memref<808xi32, #tpu.memory_space<vmem>> -> memref<128xi32, #tpu.memory_space<vmem>>
      %dma_start3A_520 = arith.constant 0 : i32
      %dma_start3A_521 = arith.constant 0 : i32
      %dma_start3A_522 = tpu.memref_slice %arg3[%dma_start3A_520, %dma_start3A_521] : memref<1000000x32xf32, #tpu.memory_space<hbm>> -> memref<1000000x32xf32, #tpu.memory_space<hbm>>
      tpu.enqueue_indirect_dma source(%dma_start3A_522 : memref<1000000x32xf32, #tpu.memory_space<hbm>>) target(%dma_start3A_517 : memref<128x32xf32, #tpu.memory_space<vmem>>) offsets(%dma_start3A_519 : memref<128xi32, #tpu.memory_space<vmem>>) semaphore(%arg10 : memref<!tpu.dma_semaphore, #tpu.memory_space<semaphore_mem>>)
      %dma_start3A_523 = arith.constant 640 : i32
      %dma_start3A_524 = arith.constant 0 : i32
      %dma_start3A_525 = tpu.memref_slice %arg7[%dma_start3A_523, %dma_start3A_524] : memref<808x32xf32, #tpu.memory_space<vmem>> -> memref<128x32xf32, #tpu.memory_space<vmem>>
      %dma_start3A_526 = arith.constant 640 : i32
      %dma_start3A_527 = tpu.memref_slice %arg5[%dma_start3A_526] : memref<808xi32, #tpu.memory_space<vmem>> -> memref<128xi32, #tpu.memory_space<vmem>>
      %dma_start3A_528 = arith.constant 0 : i32
      %dma_start3A_529 = arith.constant 0 : i32
      %dma_start3A_530 = tpu.memref_slice %arg3[%dma_start3A_528, %dma_start3A_529] : memref<1000000x32xf32, #tpu.memory_space<hbm>> -> memref<1000000x32xf32, #tpu.memory_space<hbm>>
      tpu.enqueue_indirect_dma source(%dma_start3A_530 : memref<1000000x32xf32, #tpu.memory_space<hbm>>) target(%dma_start3A_525 : memref<128x32xf32, #tpu.memory_space<vmem>>) offsets(%dma_start3A_527 : memref<128xi32, #tpu.memory_space<vmem>>) semaphore(%arg10 : memref<!tpu.dma_semaphore, #tpu.memory_space<semaphore_mem>>)
      %dma_start3A_531 = arith.constant 768 : i32
      %dma_start3A_532 = arith.constant 0 : i32
      %dma_start3A_533 = tpu.memref_slice %arg7[%dma_start3A_531, %dma_start3A_532] : memref<808x32xf32, #tpu.memory_space<vmem>> -> memref<40x32xf32, #tpu.memory_space<vmem>>
      %dma_start3A_534 = arith.constant 768 : i32
      %dma_start3A_535 = tpu.memref_slice %arg5[%dma_start3A_534] : memref<808xi32, #tpu.memory_space<vmem>> -> memref<40xi32, #tpu.memory_space<vmem>>
      %dma_start3A_536 = arith.constant 0 : i32
      %dma_start3A_537 = arith.constant 0 : i32
      %dma_start3A_538 = tpu.memref_slice %arg3[%dma_start3A_536, %dma_start3A_537] : memref<1000000x32xf32, #tpu.memory_space<hbm>> -> memref<1000000x32xf32, #tpu.memory_space<hbm>>
      tpu.enqueue_indirect_dma source(%dma_start3A_538 : memref<1000000x32xf32, #tpu.memory_space<hbm>>) target(%dma_start3A_533 : memref<40x32xf32, #tpu.memory_space<vmem>>) offsets(%dma_start3A_535 : memref<40xi32, #tpu.memory_space<vmem>>) semaphore(%arg10 : memref<!tpu.dma_semaphore, #tpu.memory_space<semaphore_mem>>)
      %add3A_539 = arith.constant 1 : i32
      %add3A_540 = arith.addi %mul3A_153, %add3A_539 : i32
      %broadcast_in_dim3A_541 = arith.constant 0.000000e+00 : f32
      %broadcast_in_dim3A_542 = vector.broadcast %broadcast_in_dim3A_541 : f32 to vector<16xf32>
      %parallel_loop3A_543 = arith.constant 0 : i32
      %parallel_loop3A_544 = arith.constant 50 : i32
      %parallel_loop3A_545 = arith.constant 1 : i32
      %parallel_loop3A_546:8 = scf.for %parallel_loop3A_662 = %parallel_loop3A_543 to %parallel_loop3A_544 step %parallel_loop3A_545 iter_args(%parallel_loop3A_663 = %broadcast_in_dim3A_542, %parallel_loop3A_664 = %broadcast_in_dim3A_542, %parallel_loop3A_665 = %broadcast_in_dim3A_542, %parallel_loop3A_666 = %broadcast_in_dim3A_542, %parallel_loop3A_667 = %broadcast_in_dim3A_542, %parallel_loop3A_668 = %broadcast_in_dim3A_542, %parallel_loop3A_669 = %broadcast_in_dim3A_542, %parallel_loop3A_670 = %broadcast_in_dim3A_542) -> (vector<16xf32>, vector<16xf32>, vector<16xf32>, vector<16xf32>, vector<16xf32>, vector<16xf32>, vector<16xf32>, vector<16xf32>)  : i32 {
        %parallel_loop3A_671 = arith.constant 4 : i32
        %parallel_loop3A_672 = arith.muli %parallel_loop3A_662, %parallel_loop3A_671 : i32
        %parallel_loop3A_673 = arith.constant 0 : i32
        %parallel_loop3A_674 = arith.addi %parallel_loop3A_673, %parallel_loop3A_672 : i32
        %parallel_loop3A_675 = arith.index_cast %parallel_loop3A_674 : i32 to index
        %parallel_loop3A_676 = arith.constant 0 : index
        %parallel_loop3A_677 = tpu.vector_load %arg8[%parallel_loop3A_675, %parallel_loop3A_676] {strides = array<i32>} : memref<808x32xf32, #tpu.memory_space<vmem>>, vector<1x16xf32>,
        %parallel_loop3A_678 = vector.shape_cast %parallel_loop3A_677 : vector<1x16xf32> to vector<16xf32>
        %parallel_loop3A_679 = arith.addf %parallel_loop3A_663, %parallel_loop3A_678 : vector<16xf32>
        %parallel_loop3A_680 = arith.index_cast %parallel_loop3A_674 : i32 to index
        %parallel_loop3A_681 = arith.constant 16 : index
        %parallel_loop3A_682 = tpu.vector_load %arg8[%parallel_loop3A_680, %parallel_loop3A_681] {strides = array<i32>} : memref<808x32xf32, #tpu.memory_space<vmem>>, vector<1x16xf32>,
        %parallel_loop3A_683 = vector.shape_cast %parallel_loop3A_682 : vector<1x16xf32> to vector<16xf32>
        %parallel_loop3A_684 = arith.addf %parallel_loop3A_664, %parallel_loop3A_683 : vector<16xf32>
        %parallel_loop3A_685 = arith.constant 1 : i32
        %parallel_loop3A_686 = arith.addi %parallel_loop3A_674, %parallel_loop3A_685 : i32
        %parallel_loop3A_687 = arith.index_cast %parallel_loop3A_686 : i32 to index
        %parallel_loop3A_688 = arith.constant 0 : index
        %parallel_loop3A_689 = tpu.vector_load %arg8[%parallel_loop3A_687, %parallel_loop3A_688] {strides = array<i32>} : memref<808x32xf32, #tpu.memory_space<vmem>>, vector<1x16xf32>,
        %parallel_loop3A_690 = vector.shape_cast %parallel_loop3A_689 : vector<1x16xf32> to vector<16xf32>
        %parallel_loop3A_691 = arith.addf %parallel_loop3A_665, %parallel_loop3A_690 : vector<16xf32>
        %parallel_loop3A_692 = arith.constant 1 : i32
        %parallel_loop3A_693 = arith.addi %parallel_loop3A_674, %parallel_loop3A_692 : i32
        %parallel_loop3A_694 = arith.index_cast %parallel_loop3A_693 : i32 to index
        %parallel_loop3A_695 = arith.constant 16 : index
        %parallel_loop3A_696 = tpu.vector_load %arg8[%parallel_loop3A_694, %parallel_loop3A_695] {strides = array<i32>} : memref<808x32xf32, #tpu.memory_space<vmem>>, vector<1x16xf32>,
        %parallel_loop3A_697 = vector.shape_cast %parallel_loop3A_696 : vector<1x16xf32> to vector<16xf32>
        %parallel_loop3A_698 = arith.addf %parallel_loop3A_666, %parallel_loop3A_697 : vector<16xf32>
        %parallel_loop3A_699 = arith.constant 2 : i32
        %parallel_loop3A_700 = arith.addi %parallel_loop3A_674, %parallel_loop3A_699 : i32
        %parallel_loop3A_701 = arith.index_cast %parallel_loop3A_700 : i32 to index
        %parallel_loop3A_702 = arith.constant 0 : index
        %parallel_loop3A_703 = tpu.vector_load %arg8[%parallel_loop3A_701, %parallel_loop3A_702] {strides = array<i32>} : memref<808x32xf32, #tpu.memory_space<vmem>>, vector<1x16xf32>,
        %parallel_loop3A_704 = vector.shape_cast %parallel_loop3A_703 : vector<1x16xf32> to vector<16xf32>
        %parallel_loop3A_705 = arith.addf %parallel_loop3A_667, %parallel_loop3A_704 : vector<16xf32>
        %parallel_loop3A_706 = arith.constant 2 : i32
        %parallel_loop3A_707 = arith.addi %parallel_loop3A_674, %parallel_loop3A_706 : i32
        %parallel_loop3A_708 = arith.index_cast %parallel_loop3A_707 : i32 to index
        %parallel_loop3A_709 = arith.constant 16 : index
        %parallel_loop3A_710 = tpu.vector_load %arg8[%parallel_loop3A_708, %parallel_loop3A_709] {strides = array<i32>} : memref<808x32xf32, #tpu.memory_space<vmem>>, vector<1x16xf32>,
        %parallel_loop3A_711 = vector.shape_cast %parallel_loop3A_710 : vector<1x16xf32> to vector<16xf32>
        %parallel_loop3A_712 = arith.addf %parallel_loop3A_668, %parallel_loop3A_711 : vector<16xf32>
        %parallel_loop3A_713 = arith.constant 3 : i32
        %parallel_loop3A_714 = arith.addi %parallel_loop3A_674, %parallel_loop3A_713 : i32
        %parallel_loop3A_715 = arith.index_cast %parallel_loop3A_714 : i32 to index
        %parallel_loop3A_716 = arith.constant 0 : index
        %parallel_loop3A_717 = tpu.vector_load %arg8[%parallel_loop3A_715, %parallel_loop3A_716] {strides = array<i32>} : memref<808x32xf32, #tpu.memory_space<vmem>>, vector<1x16xf32>,
        %parallel_loop3A_718 = vector.shape_cast %parallel_loop3A_717 : vector<1x16xf32> to vector<16xf32>
        %parallel_loop3A_719 = arith.addf %parallel_loop3A_669, %parallel_loop3A_718 : vector<16xf32>
        %parallel_loop3A_720 = arith.constant 3 : i32
        %parallel_loop3A_721 = arith.addi %parallel_loop3A_674, %parallel_loop3A_720 : i32
        %parallel_loop3A_722 = arith.index_cast %parallel_loop3A_721 : i32 to index
        %parallel_loop3A_723 = arith.constant 16 : index
        %parallel_loop3A_724 = tpu.vector_load %arg8[%parallel_loop3A_722, %parallel_loop3A_723] {strides = array<i32>} : memref<808x32xf32, #tpu.memory_space<vmem>>, vector<1x16xf32>,
        %parallel_loop3A_725 = vector.shape_cast %parallel_loop3A_724 : vector<1x16xf32> to vector<16xf32>
        %parallel_loop3A_726 = arith.addf %parallel_loop3A_670, %parallel_loop3A_725 : vector<16xf32>
        scf.yield %parallel_loop3A_679, %parallel_loop3A_684, %parallel_loop3A_691, %parallel_loop3A_698, %parallel_loop3A_705, %parallel_loop3A_712, %parallel_loop3A_719, %parallel_loop3A_726 : vector<16xf32>, vector<16xf32>, vector<16xf32>, vector<16xf32>, vector<16xf32>, vector<16xf32>, vector<16xf32>, vector<16xf32>
      } {sc.loop_unroll_factor = 2 : i64, sc.parallel_access}
      %add3A_547 = arith.addf %parallel_loop3A_546#0, %parallel_loop3A_546#2 : vector<16xf32>
      %add3A_548 = arith.addf %parallel_loop3A_546#4, %parallel_loop3A_546#6 : vector<16xf32>
      %add3A_549 = arith.addf %add3A_547, %add3A_548 : vector<16xf32>
      %mul3A_550 = arith.constant 4 : i32
      %mul3A_551 = arith.muli %add3A_540, %mul3A_550 : i32
      %add3A_552 = arith.constant 0 : i32
      %add3A_553 = arith.addi %mul3A_551, %add3A_552 : i32
      %swap3A_554 = arith.index_cast %add3A_553 : i32 to index
      %swap3A_555 = arith.constant 0 : index
      %swap3A_556 = tpu.vector_load %arg9[%swap3A_554, %swap3A_555] {strides = array<i32>} : memref<512x32xf32, #tpu.memory_space<vmem>>, vector<1x16xf32>,
      %swap3A_557 = vector.shape_cast %swap3A_556 : vector<1x16xf32> to vector<16xf32>
      %swap3A_558 = vector.shape_cast %add3A_549 : vector<16xf32> to vector<1x16xf32>
      tpu.vector_store %arg9[%swap3A_554, %swap3A_555], %swap3A_558 {strides = array<i32>} : memref<512x32xf32, #tpu.memory_space<vmem>>, vector<1x16xf32>,
      %add3A_559 = arith.addf %parallel_loop3A_546#1, %parallel_loop3A_546#3 : vector<16xf32>
      %add3A_560 = arith.addf %parallel_loop3A_546#5, %parallel_loop3A_546#7 : vector<16xf32>
      %add3A_561 = arith.addf %add3A_559, %add3A_560 : vector<16xf32>
      %mul3A_562 = arith.constant 4 : i32
      %mul3A_563 = arith.muli %add3A_540, %mul3A_562 : i32
      %add3A_564 = arith.constant 0 : i32
      %add3A_565 = arith.addi %mul3A_563, %add3A_564 : i32
      %swap3A_566 = arith.index_cast %add3A_565 : i32 to index
      %swap3A_567 = arith.constant 16 : index
      %swap3A_568 = tpu.vector_load %arg9[%swap3A_566, %swap3A_567] {strides = array<i32>} : memref<512x32xf32, #tpu.memory_space<vmem>>, vector<1x16xf32>,
      %swap3A_569 = vector.shape_cast %swap3A_568 : vector<1x16xf32> to vector<16xf32>
      %swap3A_570 = vector.shape_cast %add3A_561 : vector<16xf32> to vector<1x16xf32>
      tpu.vector_store %arg9[%swap3A_566, %swap3A_567], %swap3A_570 {strides = array<i32>} : memref<512x32xf32, #tpu.memory_space<vmem>>, vector<1x16xf32>,
      %broadcast_in_dim3A_571 = arith.constant 0.000000e+00 : f32
      %broadcast_in_dim3A_572 = vector.broadcast %broadcast_in_dim3A_571 : f32 to vector<16xf32>
      %parallel_loop3A_573 = arith.constant 0 : i32
      %parallel_loop3A_574 = arith.constant 50 : i32
      %parallel_loop3A_575 = arith.constant 1 : i32
      %parallel_loop3A_576:8 = scf.for %parallel_loop3A_662 = %parallel_loop3A_573 to %parallel_loop3A_574 step %parallel_loop3A_575 iter_args(%parallel_loop3A_663 = %broadcast_in_dim3A_572, %parallel_loop3A_664 = %broadcast_in_dim3A_572, %parallel_loop3A_665 = %broadcast_in_dim3A_572, %parallel_loop3A_666 = %broadcast_in_dim3A_572, %parallel_loop3A_667 = %broadcast_in_dim3A_572, %parallel_loop3A_668 = %broadcast_in_dim3A_572, %parallel_loop3A_669 = %broadcast_in_dim3A_572, %parallel_loop3A_670 = %broadcast_in_dim3A_572) -> (vector<16xf32>, vector<16xf32>, vector<16xf32>, vector<16xf32>, vector<16xf32>, vector<16xf32>, vector<16xf32>, vector<16xf32>)  : i32 {
        %parallel_loop3A_671 = arith.constant 4 : i32
        %parallel_loop3A_672 = arith.muli %parallel_loop3A_662, %parallel_loop3A_671 : i32
        %parallel_loop3A_673 = arith.constant 202 : i32
        %parallel_loop3A_674 = arith.addi %parallel_loop3A_673, %parallel_loop3A_672 : i32
        %parallel_loop3A_675 = arith.index_cast %parallel_loop3A_674 : i32 to index
        %parallel_loop3A_676 = arith.constant 0 : index
        %parallel_loop3A_677 = tpu.vector_load %arg8[%parallel_loop3A_675, %parallel_loop3A_676] {strides = array<i32>} : memref<808x32xf32, #tpu.memory_space<vmem>>, vector<1x16xf32>,
        %parallel_loop3A_678 = vector.shape_cast %parallel_loop3A_677 : vector<1x16xf32> to vector<16xf32>
        %parallel_loop3A_679 = arith.addf %parallel_loop3A_663, %parallel_loop3A_678 : vector<16xf32>
        %parallel_loop3A_680 = arith.index_cast %parallel_loop3A_674 : i32 to index
        %parallel_loop3A_681 = arith.constant 16 : index
        %parallel_loop3A_682 = tpu.vector_load %arg8[%parallel_loop3A_680, %parallel_loop3A_681] {strides = array<i32>} : memref<808x32xf32, #tpu.memory_space<vmem>>, vector<1x16xf32>,
        %parallel_loop3A_683 = vector.shape_cast %parallel_loop3A_682 : vector<1x16xf32> to vector<16xf32>
        %parallel_loop3A_684 = arith.addf %parallel_loop3A_664, %parallel_loop3A_683 : vector<16xf32>
        %parallel_loop3A_685 = arith.constant 1 : i32
        %parallel_loop3A_686 = arith.addi %parallel_loop3A_674, %parallel_loop3A_685 : i32
        %parallel_loop3A_687 = arith.index_cast %parallel_loop3A_686 : i32 to index
        %parallel_loop3A_688 = arith.constant 0 : index
        %parallel_loop3A_689 = tpu.vector_load %arg8[%parallel_loop3A_687, %parallel_loop3A_688] {strides = array<i32>} : memref<808x32xf32, #tpu.memory_space<vmem>>, vector<1x16xf32>,
        %parallel_loop3A_690 = vector.shape_cast %parallel_loop3A_689 : vector<1x16xf32> to vector<16xf32>
        %parallel_loop3A_691 = arith.addf %parallel_loop3A_665, %parallel_loop3A_690 : vector<16xf32>
        %parallel_loop3A_692 = arith.constant 1 : i32
        %parallel_loop3A_693 = arith.addi %parallel_loop3A_674, %parallel_loop3A_692 : i32
        %parallel_loop3A_694 = arith.index_cast %parallel_loop3A_693 : i32 to index
        %parallel_loop3A_695 = arith.constant 16 : index
        %parallel_loop3A_696 = tpu.vector_load %arg8[%parallel_loop3A_694, %parallel_loop3A_695] {strides = array<i32>} : memref<808x32xf32, #tpu.memory_space<vmem>>, vector<1x16xf32>,
        %parallel_loop3A_697 = vector.shape_cast %parallel_loop3A_696 : vector<1x16xf32> to vector<16xf32>
        %parallel_loop3A_698 = arith.addf %parallel_loop3A_666, %parallel_loop3A_697 : vector<16xf32>
        %parallel_loop3A_699 = arith.constant 2 : i32
        %parallel_loop3A_700 = arith.addi %parallel_loop3A_674, %parallel_loop3A_699 : i32
        %parallel_loop3A_701 = arith.index_cast %parallel_loop3A_700 : i32 to index
        %parallel_loop3A_702 = arith.constant 0 : index
        %parallel_loop3A_703 = tpu.vector_load %arg8[%parallel_loop3A_701, %parallel_loop3A_702] {strides = array<i32>} : memref<808x32xf32, #tpu.memory_space<vmem>>, vector<1x16xf32>,
        %parallel_loop3A_704 = vector.shape_cast %parallel_loop3A_703 : vector<1x16xf32> to vector<16xf32>
        %parallel_loop3A_705 = arith.addf %parallel_loop3A_667, %parallel_loop3A_704 : vector<16xf32>
        %parallel_loop3A_706 = arith.constant 2 : i32
        %parallel_loop3A_707 = arith.addi %parallel_loop3A_674, %parallel_loop3A_706 : i32
        %parallel_loop3A_708 = arith.index_cast %parallel_loop3A_707 : i32 to index
        %parallel_loop3A_709 = arith.constant 16 : index
        %parallel_loop3A_710 = tpu.vector_load %arg8[%parallel_loop3A_708, %parallel_loop3A_709] {strides = array<i32>} : memref<808x32xf32, #tpu.memory_space<vmem>>, vector<1x16xf32>,
        %parallel_loop3A_711 = vector.shape_cast %parallel_loop3A_710 : vector<1x16xf32> to vector<16xf32>
        %parallel_loop3A_712 = arith.addf %parallel_loop3A_668, %parallel_loop3A_711 : vector<16xf32>
        %parallel_loop3A_713 = arith.constant 3 : i32
        %parallel_loop3A_714 = arith.addi %parallel_loop3A_674, %parallel_loop3A_713 : i32
        %parallel_loop3A_715 = arith.index_cast %parallel_loop3A_714 : i32 to index
        %parallel_loop3A_716 = arith.constant 0 : index
        %parallel_loop3A_717 = tpu.vector_load %arg8[%parallel_loop3A_715, %parallel_loop3A_716] {strides = array<i32>} : memref<808x32xf32, #tpu.memory_space<vmem>>, vector<1x16xf32>,
        %parallel_loop3A_718 = vector.shape_cast %parallel_loop3A_717 : vector<1x16xf32> to vector<16xf32>
        %parallel_loop3A_719 = arith.addf %parallel_loop3A_669, %parallel_loop3A_718 : vector<16xf32>
        %parallel_loop3A_720 = arith.constant 3 : i32
        %parallel_loop3A_721 = arith.addi %parallel_loop3A_674, %parallel_loop3A_720 : i32
        %parallel_loop3A_722 = arith.index_cast %parallel_loop3A_721 : i32 to index
        %parallel_loop3A_723 = arith.constant 16 : index
        %parallel_loop3A_724 = tpu.vector_load %arg8[%parallel_loop3A_722, %parallel_loop3A_723] {strides = array<i32>} : memref<808x32xf32, #tpu.memory_space<vmem>>, vector<1x16xf32>,
        %parallel_loop3A_725 = vector.shape_cast %parallel_loop3A_724 : vector<1x16xf32> to vector<16xf32>
        %parallel_loop3A_726 = arith.addf %parallel_loop3A_670, %parallel_loop3A_725 : vector<16xf32>
        scf.yield %parallel_loop3A_679, %parallel_loop3A_684, %parallel_loop3A_691, %parallel_loop3A_698, %parallel_loop3A_705, %parallel_loop3A_712, %parallel_loop3A_719, %parallel_loop3A_726 : vector<16xf32>, vector<16xf32>, vector<16xf32>, vector<16xf32>, vector<16xf32>, vector<16xf32>, vector<16xf32>, vector<16xf32>
      } {sc.loop_unroll_factor = 2 : i64, sc.parallel_access}
      %add3A_577 = arith.addf %parallel_loop3A_576#0, %parallel_loop3A_576#2 : vector<16xf32>
      %add3A_578 = arith.addf %parallel_loop3A_576#4, %parallel_loop3A_576#6 : vector<16xf32>
      %add3A_579 = arith.addf %add3A_577, %add3A_578 : vector<16xf32>
      %mul3A_580 = arith.constant 4 : i32
      %mul3A_581 = arith.muli %add3A_540, %mul3A_580 : i32
      %add3A_582 = arith.constant 1 : i32
      %add3A_583 = arith.addi %mul3A_581, %add3A_582 : i32
      %swap3A_584 = arith.index_cast %add3A_583 : i32 to index
      %swap3A_585 = arith.constant 0 : index
      %swap3A_586 = tpu.vector_load %arg9[%swap3A_584, %swap3A_585] {strides = array<i32>} : memref<512x32xf32, #tpu.memory_space<vmem>>, vector<1x16xf32>,
      %swap3A_587 = vector.shape_cast %swap3A_586 : vector<1x16xf32> to vector<16xf32>
      %swap3A_588 = vector.shape_cast %add3A_579 : vector<16xf32> to vector<1x16xf32>
      tpu.vector_store %arg9[%swap3A_584, %swap3A_585], %swap3A_588 {strides = array<i32>} : memref<512x32xf32, #tpu.memory_space<vmem>>, vector<1x16xf32>,
      %add3A_589 = arith.addf %parallel_loop3A_576#1, %parallel_loop3A_576#3 : vector<16xf32>
      %add3A_590 = arith.addf %parallel_loop3A_576#5, %parallel_loop3A_576#7 : vector<16xf32>
      %add3A_591 = arith.addf %add3A_589, %add3A_590 : vector<16xf32>
      %mul3A_592 = arith.constant 4 : i32
      %mul3A_593 = arith.muli %add3A_540, %mul3A_592 : i32
      %add3A_594 = arith.constant 1 : i32
      %add3A_595 = arith.addi %mul3A_593, %add3A_594 : i32
      %swap3A_596 = arith.index_cast %add3A_595 : i32 to index
      %swap3A_597 = arith.constant 16 : index
      %swap3A_598 = tpu.vector_load %arg9[%swap3A_596, %swap3A_597] {strides = array<i32>} : memref<512x32xf32, #tpu.memory_space<vmem>>, vector<1x16xf32>,
      %swap3A_599 = vector.shape_cast %swap3A_598 : vector<1x16xf32> to vector<16xf32>
      %swap3A_600 = vector.shape_cast %add3A_591 : vector<16xf32> to vector<1x16xf32>
      tpu.vector_store %arg9[%swap3A_596, %swap3A_597], %swap3A_600 {strides = array<i32>} : memref<512x32xf32, #tpu.memory_space<vmem>>, vector<1x16xf32>,
      %broadcast_in_dim3A_601 = arith.constant 0.000000e+00 : f32
      %broadcast_in_dim3A_602 = vector.broadcast %broadcast_in_dim3A_601 : f32 to vector<16xf32>
      %parallel_loop3A_603 = arith.constant 0 : i32
      %parallel_loop3A_604 = arith.constant 50 : i32
      %parallel_loop3A_605 = arith.constant 1 : i32
      %parallel_loop3A_606:8 = scf.for %parallel_loop3A_662 = %parallel_loop3A_603 to %parallel_loop3A_604 step %parallel_loop3A_605 iter_args(%parallel_loop3A_663 = %broadcast_in_dim3A_602, %parallel_loop3A_664 = %broadcast_in_dim3A_602, %parallel_loop3A_665 = %broadcast_in_dim3A_602, %parallel_loop3A_666 = %broadcast_in_dim3A_602, %parallel_loop3A_667 = %broadcast_in_dim3A_602, %parallel_loop3A_668 = %broadcast_in_dim3A_602, %parallel_loop3A_669 = %broadcast_in_dim3A_602, %parallel_loop3A_670 = %broadcast_in_dim3A_602) -> (vector<16xf32>, vector<16xf32>, vector<16xf32>, vector<16xf32>, vector<16xf32>, vector<16xf32>, vector<16xf32>, vector<16xf32>)  : i32 {
        %parallel_loop3A_671 = arith.constant 4 : i32
        %parallel_loop3A_672 = arith.muli %parallel_loop3A_662, %parallel_loop3A_671 : i32
        %parallel_loop3A_673 = arith.constant 404 : i32
        %parallel_loop3A_674 = arith.addi %parallel_loop3A_673, %parallel_loop3A_672 : i32
        %parallel_loop3A_675 = arith.index_cast %parallel_loop3A_674 : i32 to index
        %parallel_loop3A_676 = arith.constant 0 : index
        %parallel_loop3A_677 = tpu.vector_load %arg8[%parallel_loop3A_675, %parallel_loop3A_676] {strides = array<i32>} : memref<808x32xf32, #tpu.memory_space<vmem>>, vector<1x16xf32>,
        %parallel_loop3A_678 = vector.shape_cast %parallel_loop3A_677 : vector<1x16xf32> to vector<16xf32>
        %parallel_loop3A_679 = arith.addf %parallel_loop3A_663, %parallel_loop3A_678 : vector<16xf32>
        %parallel_loop3A_680 = arith.index_cast %parallel_loop3A_674 : i32 to index
        %parallel_loop3A_681 = arith.constant 16 : index
        %parallel_loop3A_682 = tpu.vector_load %arg8[%parallel_loop3A_680, %parallel_loop3A_681] {strides = array<i32>} : memref<808x32xf32, #tpu.memory_space<vmem>>, vector<1x16xf32>,
        %parallel_loop3A_683 = vector.shape_cast %parallel_loop3A_682 : vector<1x16xf32> to vector<16xf32>
        %parallel_loop3A_684 = arith.addf %parallel_loop3A_664, %parallel_loop3A_683 : vector<16xf32>
        %parallel_loop3A_685 = arith.constant 1 : i32
        %parallel_loop3A_686 = arith.addi %parallel_loop3A_674, %parallel_loop3A_685 : i32
        %parallel_loop3A_687 = arith.index_cast %parallel_loop3A_686 : i32 to index
        %parallel_loop3A_688 = arith.constant 0 : index
        %parallel_loop3A_689 = tpu.vector_load %arg8[%parallel_loop3A_687, %parallel_loop3A_688] {strides = array<i32>} : memref<808x32xf32, #tpu.memory_space<vmem>>, vector<1x16xf32>,
        %parallel_loop3A_690 = vector.shape_cast %parallel_loop3A_689 : vector<1x16xf32> to vector<16xf32>
        %parallel_loop3A_691 = arith.addf %parallel_loop3A_665, %parallel_loop3A_690 : vector<16xf32>
        %parallel_loop3A_692 = arith.constant 1 : i32
        %parallel_loop3A_693 = arith.addi %parallel_loop3A_674, %parallel_loop3A_692 : i32
        %parallel_loop3A_694 = arith.index_cast %parallel_loop3A_693 : i32 to index
        %parallel_loop3A_695 = arith.constant 16 : index
        %parallel_loop3A_696 = tpu.vector_load %arg8[%parallel_loop3A_694, %parallel_loop3A_695] {strides = array<i32>} : memref<808x32xf32, #tpu.memory_space<vmem>>, vector<1x16xf32>,
        %parallel_loop3A_697 = vector.shape_cast %parallel_loop3A_696 : vector<1x16xf32> to vector<16xf32>
        %parallel_loop3A_698 = arith.addf %parallel_loop3A_666, %parallel_loop3A_697 : vector<16xf32>
        %parallel_loop3A_699 = arith.constant 2 : i32
        %parallel_loop3A_700 = arith.addi %parallel_loop3A_674, %parallel_loop3A_699 : i32
        %parallel_loop3A_701 = arith.index_cast %parallel_loop3A_700 : i32 to index
        %parallel_loop3A_702 = arith.constant 0 : index
        %parallel_loop3A_703 = tpu.vector_load %arg8[%parallel_loop3A_701, %parallel_loop3A_702] {strides = array<i32>} : memref<808x32xf32, #tpu.memory_space<vmem>>, vector<1x16xf32>,
        %parallel_loop3A_704 = vector.shape_cast %parallel_loop3A_703 : vector<1x16xf32> to vector<16xf32>
        %parallel_loop3A_705 = arith.addf %parallel_loop3A_667, %parallel_loop3A_704 : vector<16xf32>
        %parallel_loop3A_706 = arith.constant 2 : i32
        %parallel_loop3A_707 = arith.addi %parallel_loop3A_674, %parallel_loop3A_706 : i32
        %parallel_loop3A_708 = arith.index_cast %parallel_loop3A_707 : i32 to index
        %parallel_loop3A_709 = arith.constant 16 : index
        %parallel_loop3A_710 = tpu.vector_load %arg8[%parallel_loop3A_708, %parallel_loop3A_709] {strides = array<i32>} : memref<808x32xf32, #tpu.memory_space<vmem>>, vector<1x16xf32>,
        %parallel_loop3A_711 = vector.shape_cast %parallel_loop3A_710 : vector<1x16xf32> to vector<16xf32>
        %parallel_loop3A_712 = arith.addf %parallel_loop3A_668, %parallel_loop3A_711 : vector<16xf32>
        %parallel_loop3A_713 = arith.constant 3 : i32
        %parallel_loop3A_714 = arith.addi %parallel_loop3A_674, %parallel_loop3A_713 : i32
        %parallel_loop3A_715 = arith.index_cast %parallel_loop3A_714 : i32 to index
        %parallel_loop3A_716 = arith.constant 0 : index
        %parallel_loop3A_717 = tpu.vector_load %arg8[%parallel_loop3A_715, %parallel_loop3A_716] {strides = array<i32>} : memref<808x32xf32, #tpu.memory_space<vmem>>, vector<1x16xf32>,
        %parallel_loop3A_718 = vector.shape_cast %parallel_loop3A_717 : vector<1x16xf32> to vector<16xf32>
        %parallel_loop3A_719 = arith.addf %parallel_loop3A_669, %parallel_loop3A_718 : vector<16xf32>
        %parallel_loop3A_720 = arith.constant 3 : i32
        %parallel_loop3A_721 = arith.addi %parallel_loop3A_674, %parallel_loop3A_720 : i32
        %parallel_loop3A_722 = arith.index_cast %parallel_loop3A_721 : i32 to index
        %parallel_loop3A_723 = arith.constant 16 : index
        %parallel_loop3A_724 = tpu.vector_load %arg8[%parallel_loop3A_722, %parallel_loop3A_723] {strides = array<i32>} : memref<808x32xf32, #tpu.memory_space<vmem>>, vector<1x16xf32>,
        %parallel_loop3A_725 = vector.shape_cast %parallel_loop3A_724 : vector<1x16xf32> to vector<16xf32>
        %parallel_loop3A_726 = arith.addf %parallel_loop3A_670, %parallel_loop3A_725 : vector<16xf32>
        scf.yield %parallel_loop3A_679, %parallel_loop3A_684, %parallel_loop3A_691, %parallel_loop3A_698, %parallel_loop3A_705, %parallel_loop3A_712, %parallel_loop3A_719, %parallel_loop3A_726 : vector<16xf32>, vector<16xf32>, vector<16xf32>, vector<16xf32>, vector<16xf32>, vector<16xf32>, vector<16xf32>, vector<16xf32>
      } {sc.loop_unroll_factor = 2 : i64, sc.parallel_access}
      %add3A_607 = arith.addf %parallel_loop3A_606#0, %parallel_loop3A_606#2 : vector<16xf32>
      %add3A_608 = arith.addf %parallel_loop3A_606#4, %parallel_loop3A_606#6 : vector<16xf32>
      %add3A_609 = arith.addf %add3A_607, %add3A_608 : vector<16xf32>
      %mul3A_610 = arith.constant 4 : i32
      %mul3A_611 = arith.muli %add3A_540, %mul3A_610 : i32
      %add3A_612 = arith.constant 2 : i32
      %add3A_613 = arith.addi %mul3A_611, %add3A_612 : i32
      %swap3A_614 = arith.index_cast %add3A_613 : i32 to index
      %swap3A_615 = arith.constant 0 : index
      %swap3A_616 = tpu.vector_load %arg9[%swap3A_614, %swap3A_615] {strides = array<i32>} : memref<512x32xf32, #tpu.memory_space<vmem>>, vector<1x16xf32>,
      %swap3A_617 = vector.shape_cast %swap3A_616 : vector<1x16xf32> to vector<16xf32>
      %swap3A_618 = vector.shape_cast %add3A_609 : vector<16xf32> to vector<1x16xf32>
      tpu.vector_store %arg9[%swap3A_614, %swap3A_615], %swap3A_618 {strides = array<i32>} : memref<512x32xf32, #tpu.memory_space<vmem>>, vector<1x16xf32>,
      %add3A_619 = arith.addf %parallel_loop3A_606#1, %parallel_loop3A_606#3 : vector<16xf32>
      %add3A_620 = arith.addf %parallel_loop3A_606#5, %parallel_loop3A_606#7 : vector<16xf32>
      %add3A_621 = arith.addf %add3A_619, %add3A_620 : vector<16xf32>
      %mul3A_622 = arith.constant 4 : i32
      %mul3A_623 = arith.muli %add3A_540, %mul3A_622 : i32
      %add3A_624 = arith.constant 2 : i32
      %add3A_625 = arith.addi %mul3A_623, %add3A_624 : i32
      %swap3A_626 = arith.index_cast %add3A_625 : i32 to index
      %swap3A_627 = arith.constant 16 : index
      %swap3A_628 = tpu.vector_load %arg9[%swap3A_626, %swap3A_627] {strides = array<i32>} : memref<512x32xf32, #tpu.memory_space<vmem>>, vector<1x16xf32>,
      %swap3A_629 = vector.shape_cast %swap3A_628 : vector<1x16xf32> to vector<16xf32>
      %swap3A_630 = vector.shape_cast %add3A_621 : vector<16xf32> to vector<1x16xf32>
      tpu.vector_store %arg9[%swap3A_626, %swap3A_627], %swap3A_630 {strides = array<i32>} : memref<512x32xf32, #tpu.memory_space<vmem>>, vector<1x16xf32>,
      %broadcast_in_dim3A_631 = arith.constant 0.000000e+00 : f32
      %broadcast_in_dim3A_632 = vector.broadcast %broadcast_in_dim3A_631 : f32 to vector<16xf32>
      %parallel_loop3A_633 = arith.constant 0 : i32
      %parallel_loop3A_634 = arith.constant 50 : i32
      %parallel_loop3A_635 = arith.constant 1 : i32
      %parallel_loop3A_636:8 = scf.for %parallel_loop3A_662 = %parallel_loop3A_633 to %parallel_loop3A_634 step %parallel_loop3A_635 iter_args(%parallel_loop3A_663 = %broadcast_in_dim3A_632, %parallel_loop3A_664 = %broadcast_in_dim3A_632, %parallel_loop3A_665 = %broadcast_in_dim3A_632, %parallel_loop3A_666 = %broadcast_in_dim3A_632, %parallel_loop3A_667 = %broadcast_in_dim3A_632, %parallel_loop3A_668 = %broadcast_in_dim3A_632, %parallel_loop3A_669 = %broadcast_in_dim3A_632, %parallel_loop3A_670 = %broadcast_in_dim3A_632) -> (vector<16xf32>, vector<16xf32>, vector<16xf32>, vector<16xf32>, vector<16xf32>, vector<16xf32>, vector<16xf32>, vector<16xf32>)  : i32 {
        %parallel_loop3A_671 = arith.constant 4 : i32
        %parallel_loop3A_672 = arith.muli %parallel_loop3A_662, %parallel_loop3A_671 : i32
        %parallel_loop3A_673 = arith.constant 606 : i32
        %parallel_loop3A_674 = arith.addi %parallel_loop3A_673, %parallel_loop3A_672 : i32
        %parallel_loop3A_675 = arith.index_cast %parallel_loop3A_674 : i32 to index
        %parallel_loop3A_676 = arith.constant 0 : index
        %parallel_loop3A_677 = tpu.vector_load %arg8[%parallel_loop3A_675, %parallel_loop3A_676] {strides = array<i32>} : memref<808x32xf32, #tpu.memory_space<vmem>>, vector<1x16xf32>,
        %parallel_loop3A_678 = vector.shape_cast %parallel_loop3A_677 : vector<1x16xf32> to vector<16xf32>
        %parallel_loop3A_679 = arith.addf %parallel_loop3A_663, %parallel_loop3A_678 : vector<16xf32>
        %parallel_loop3A_680 = arith.index_cast %parallel_loop3A_674 : i32 to index
        %parallel_loop3A_681 = arith.constant 16 : index
        %parallel_loop3A_682 = tpu.vector_load %arg8[%parallel_loop3A_680, %parallel_loop3A_681] {strides = array<i32>} : memref<808x32xf32, #tpu.memory_space<vmem>>, vector<1x16xf32>,
        %parallel_loop3A_683 = vector.shape_cast %parallel_loop3A_682 : vector<1x16xf32> to vector<16xf32>
        %parallel_loop3A_684 = arith.addf %parallel_loop3A_664, %parallel_loop3A_683 : vector<16xf32>
        %parallel_loop3A_685 = arith.constant 1 : i32
        %parallel_loop3A_686 = arith.addi %parallel_loop3A_674, %parallel_loop3A_685 : i32
        %parallel_loop3A_687 = arith.index_cast %parallel_loop3A_686 : i32 to index
        %parallel_loop3A_688 = arith.constant 0 : index
        %parallel_loop3A_689 = tpu.vector_load %arg8[%parallel_loop3A_687, %parallel_loop3A_688] {strides = array<i32>} : memref<808x32xf32, #tpu.memory_space<vmem>>, vector<1x16xf32>,
        %parallel_loop3A_690 = vector.shape_cast %parallel_loop3A_689 : vector<1x16xf32> to vector<16xf32>
        %parallel_loop3A_691 = arith.addf %parallel_loop3A_665, %parallel_loop3A_690 : vector<16xf32>
        %parallel_loop3A_692 = arith.constant 1 : i32
        %parallel_loop3A_693 = arith.addi %parallel_loop3A_674, %parallel_loop3A_692 : i32
        %parallel_loop3A_694 = arith.index_cast %parallel_loop3A_693 : i32 to index
        %parallel_loop3A_695 = arith.constant 16 : index
        %parallel_loop3A_696 = tpu.vector_load %arg8[%parallel_loop3A_694, %parallel_loop3A_695] {strides = array<i32>} : memref<808x32xf32, #tpu.memory_space<vmem>>, vector<1x16xf32>,
        %parallel_loop3A_697 = vector.shape_cast %parallel_loop3A_696 : vector<1x16xf32> to vector<16xf32>
        %parallel_loop3A_698 = arith.addf %parallel_loop3A_666, %parallel_loop3A_697 : vector<16xf32>
        %parallel_loop3A_699 = arith.constant 2 : i32
        %parallel_loop3A_700 = arith.addi %parallel_loop3A_674, %parallel_loop3A_699 : i32
        %parallel_loop3A_701 = arith.index_cast %parallel_loop3A_700 : i32 to index
        %parallel_loop3A_702 = arith.constant 0 : index
        %parallel_loop3A_703 = tpu.vector_load %arg8[%parallel_loop3A_701, %parallel_loop3A_702] {strides = array<i32>} : memref<808x32xf32, #tpu.memory_space<vmem>>, vector<1x16xf32>,
        %parallel_loop3A_704 = vector.shape_cast %parallel_loop3A_703 : vector<1x16xf32> to vector<16xf32>
        %parallel_loop3A_705 = arith.addf %parallel_loop3A_667, %parallel_loop3A_704 : vector<16xf32>
        %parallel_loop3A_706 = arith.constant 2 : i32
        %parallel_loop3A_707 = arith.addi %parallel_loop3A_674, %parallel_loop3A_706 : i32
        %parallel_loop3A_708 = arith.index_cast %parallel_loop3A_707 : i32 to index
        %parallel_loop3A_709 = arith.constant 16 : index
        %parallel_loop3A_710 = tpu.vector_load %arg8[%parallel_loop3A_708, %parallel_loop3A_709] {strides = array<i32>} : memref<808x32xf32, #tpu.memory_space<vmem>>, vector<1x16xf32>,
        %parallel_loop3A_711 = vector.shape_cast %parallel_loop3A_710 : vector<1x16xf32> to vector<16xf32>
        %parallel_loop3A_712 = arith.addf %parallel_loop3A_668, %parallel_loop3A_711 : vector<16xf32>
        %parallel_loop3A_713 = arith.constant 3 : i32
        %parallel_loop3A_714 = arith.addi %parallel_loop3A_674, %parallel_loop3A_713 : i32
        %parallel_loop3A_715 = arith.index_cast %parallel_loop3A_714 : i32 to index
        %parallel_loop3A_716 = arith.constant 0 : index
        %parallel_loop3A_717 = tpu.vector_load %arg8[%parallel_loop3A_715, %parallel_loop3A_716] {strides = array<i32>} : memref<808x32xf32, #tpu.memory_space<vmem>>, vector<1x16xf32>,
        %parallel_loop3A_718 = vector.shape_cast %parallel_loop3A_717 : vector<1x16xf32> to vector<16xf32>
        %parallel_loop3A_719 = arith.addf %parallel_loop3A_669, %parallel_loop3A_718 : vector<16xf32>
        %parallel_loop3A_720 = arith.constant 3 : i32
        %parallel_loop3A_721 = arith.addi %parallel_loop3A_674, %parallel_loop3A_720 : i32
        %parallel_loop3A_722 = arith.index_cast %parallel_loop3A_721 : i32 to index
        %parallel_loop3A_723 = arith.constant 16 : index
        %parallel_loop3A_724 = tpu.vector_load %arg8[%parallel_loop3A_722, %parallel_loop3A_723] {strides = array<i32>} : memref<808x32xf32, #tpu.memory_space<vmem>>, vector<1x16xf32>,
        %parallel_loop3A_725 = vector.shape_cast %parallel_loop3A_724 : vector<1x16xf32> to vector<16xf32>
        %parallel_loop3A_726 = arith.addf %parallel_loop3A_670, %parallel_loop3A_725 : vector<16xf32>
        scf.yield %parallel_loop3A_679, %parallel_loop3A_684, %parallel_loop3A_691, %parallel_loop3A_698, %parallel_loop3A_705, %parallel_loop3A_712, %parallel_loop3A_719, %parallel_loop3A_726 : vector<16xf32>, vector<16xf32>, vector<16xf32>, vector<16xf32>, vector<16xf32>, vector<16xf32>, vector<16xf32>, vector<16xf32>
      } {sc.loop_unroll_factor = 2 : i64, sc.parallel_access}
      %add3A_637 = arith.addf %parallel_loop3A_636#0, %parallel_loop3A_636#2 : vector<16xf32>
      %add3A_638 = arith.addf %parallel_loop3A_636#4, %parallel_loop3A_636#6 : vector<16xf32>
      %add3A_639 = arith.addf %add3A_637, %add3A_638 : vector<16xf32>
      %mul3A_640 = arith.constant 4 : i32
      %mul3A_641 = arith.muli %add3A_540, %mul3A_640 : i32
      %add3A_642 = arith.constant 3 : i32
      %add3A_643 = arith.addi %mul3A_641, %add3A_642 : i32
      %swap3A_644 = arith.index_cast %add3A_643 : i32 to index
      %swap3A_645 = arith.constant 0 : index
      %swap3A_646 = tpu.vector_load %arg9[%swap3A_644, %swap3A_645] {strides = array<i32>} : memref<512x32xf32, #tpu.memory_space<vmem>>, vector<1x16xf32>,
      %swap3A_647 = vector.shape_cast %swap3A_646 : vector<1x16xf32> to vector<16xf32>
      %swap3A_648 = vector.shape_cast %add3A_639 : vector<16xf32> to vector<1x16xf32>
      tpu.vector_store %arg9[%swap3A_644, %swap3A_645], %swap3A_648 {strides = array<i32>} : memref<512x32xf32, #tpu.memory_space<vmem>>, vector<1x16xf32>,
      %add3A_649 = arith.addf %parallel_loop3A_636#1, %parallel_loop3A_636#3 : vector<16xf32>
      %add3A_650 = arith.addf %parallel_loop3A_636#5, %parallel_loop3A_636#7 : vector<16xf32>
      %add3A_651 = arith.addf %add3A_649, %add3A_650 : vector<16xf32>
      %mul3A_652 = arith.constant 4 : i32
      %mul3A_653 = arith.muli %add3A_540, %mul3A_652 : i32
      %add3A_654 = arith.constant 3 : i32
      %add3A_655 = arith.addi %mul3A_653, %add3A_654 : i32
      %swap3A_656 = arith.index_cast %add3A_655 : i32 to index
      %swap3A_657 = arith.constant 16 : index
      %swap3A_658 = tpu.vector_load %arg9[%swap3A_656, %swap3A_657] {strides = array<i32>} : memref<512x32xf32, #tpu.memory_space<vmem>>, vector<1x16xf32>,
      %swap3A_659 = vector.shape_cast %swap3A_658 : vector<1x16xf32> to vector<16xf32>
      %swap3A_660 = vector.shape_cast %add3A_651 : vector<16xf32> to vector<1x16xf32>
      tpu.vector_store %arg9[%swap3A_656, %swap3A_657], %swap3A_660 {strides = array<i32>} : memref<512x32xf32, #tpu.memory_space<vmem>>, vector<1x16xf32>,
      %scan3A_661 = arith.constant 0 : i32
      scf.yield %scan3A_661 : i32
    }
    %scan3A_83 = arith.constant 64 : i32
    %dma_wait3A_84 = arith.constant 0 : i32
    %dma_wait3A_85 = arith.constant 0 : i32
    %dma_wait3A_86 = tpu.memref_slice %arg7[%dma_wait3A_84, %dma_wait3A_85] : memref<808x32xf32, #tpu.memory_space<vmem>> -> memref<128x32xf32, #tpu.memory_space<vmem>>
    %dma_wait3A_87 = arith.constant 0 : i32
    %dma_wait3A_88 = tpu.memref_slice %arg5[%dma_wait3A_87] : memref<808xi32, #tpu.memory_space<vmem>> -> memref<128xi32, #tpu.memory_space<vmem>>
    %dma_wait3A_89 = arith.constant 0 : i32
    %dma_wait3A_90 = arith.constant 0 : i32
    %dma_wait3A_91 = tpu.memref_slice %arg3[%dma_wait3A_89, %dma_wait3A_90] : memref<1000000x32xf32, #tpu.memory_space<hbm>> -> memref<1000000x32xf32, #tpu.memory_space<hbm>>
    tpu.wait_indirect_dma semaphore(%arg10 : memref<!tpu.dma_semaphore, #tpu.memory_space<semaphore_mem>>) src(%dma_wait3A_91 : memref<1000000x32xf32, #tpu.memory_space<hbm>>) dst(%dma_wait3A_86 : memref<128x32xf32, #tpu.memory_space<vmem>>)
    %dma_wait3A_92 = arith.constant 128 : i32
    %dma_wait3A_93 = arith.constant 0 : i32
    %dma_wait3A_94 = tpu.memref_slice %arg7[%dma_wait3A_92, %dma_wait3A_93] : memref<808x32xf32, #tpu.memory_space<vmem>> -> memref<128x32xf32, #tpu.memory_space<vmem>>
    %dma_wait3A_95 = arith.constant 128 : i32
    %dma_wait3A_96 = tpu.memref_slice %arg5[%dma_wait3A_95] : memref<808xi32, #tpu.memory_space<vmem>> -> memref<128xi32, #tpu.memory_space<vmem>>
    %dma_wait3A_97 = arith.constant 0 : i32
    %dma_wait3A_98 = arith.constant 0 : i32
    %dma_wait3A_99 = tpu.memref_slice %arg3[%dma_wait3A_97, %dma_wait3A_98] : memref<1000000x32xf32, #tpu.memory_space<hbm>> -> memref<1000000x32xf32, #tpu.memory_space<hbm>>
    tpu.wait_indirect_dma semaphore(%arg10 : memref<!tpu.dma_semaphore, #tpu.memory_space<semaphore_mem>>) src(%dma_wait3A_99 : memref<1000000x32xf32, #tpu.memory_space<hbm>>) dst(%dma_wait3A_94 : memref<128x32xf32, #tpu.memory_space<vmem>>)
    %dma_wait3A_100 = arith.constant 256 : i32
    %dma_wait3A_101 = arith.constant 0 : i32
    %dma_wait3A_102 = tpu.memref_slice %arg7[%dma_wait3A_100, %dma_wait3A_101] : memref<808x32xf32, #tpu.memory_space<vmem>> -> memref<128x32xf32, #tpu.memory_space<vmem>>
    %dma_wait3A_103 = arith.constant 256 : i32
    %dma_wait3A_104 = tpu.memref_slice %arg5[%dma_wait3A_103] : memref<808xi32, #tpu.memory_space<vmem>> -> memref<128xi32, #tpu.memory_space<vmem>>
    %dma_wait3A_105 = arith.constant 0 : i32
    %dma_wait3A_106 = arith.constant 0 : i32
    %dma_wait3A_107 = tpu.memref_slice %arg3[%dma_wait3A_105, %dma_wait3A_106] : memref<1000000x32xf32, #tpu.memory_space<hbm>> -> memref<1000000x32xf32, #tpu.memory_space<hbm>>
    tpu.wait_indirect_dma semaphore(%arg10 : memref<!tpu.dma_semaphore, #tpu.memory_space<semaphore_mem>>) src(%dma_wait3A_107 : memref<1000000x32xf32, #tpu.memory_space<hbm>>) dst(%dma_wait3A_102 : memref<128x32xf32, #tpu.memory_space<vmem>>)
    %dma_wait3A_108 = arith.constant 384 : i32
    %dma_wait3A_109 = arith.constant 0 : i32
    %dma_wait3A_110 = tpu.memref_slice %arg7[%dma_wait3A_108, %dma_wait3A_109] : memref<808x32xf32, #tpu.memory_space<vmem>> -> memref<128x32xf32, #tpu.memory_space<vmem>>
    %dma_wait3A_111 = arith.constant 384 : i32
    %dma_wait3A_112 = tpu.memref_slice %arg5[%dma_wait3A_111] : memref<808xi32, #tpu.memory_space<vmem>> -> memref<128xi32, #tpu.memory_space<vmem>>
    %dma_wait3A_113 = arith.constant 0 : i32
    %dma_wait3A_114 = arith.constant 0 : i32
    %dma_wait3A_115 = tpu.memref_slice %arg3[%dma_wait3A_113, %dma_wait3A_114] : memref<1000000x32xf32, #tpu.memory_space<hbm>> -> memref<1000000x32xf32, #tpu.memory_space<hbm>>
    tpu.wait_indirect_dma semaphore(%arg10 : memref<!tpu.dma_semaphore, #tpu.memory_space<semaphore_mem>>) src(%dma_wait3A_115 : memref<1000000x32xf32, #tpu.memory_space<hbm>>) dst(%dma_wait3A_110 : memref<128x32xf32, #tpu.memory_space<vmem>>)
    %dma_wait3A_116 = arith.constant 512 : i32
    %dma_wait3A_117 = arith.constant 0 : i32
    %dma_wait3A_118 = tpu.memref_slice %arg7[%dma_wait3A_116, %dma_wait3A_117] : memref<808x32xf32, #tpu.memory_space<vmem>> -> memref<128x32xf32, #tpu.memory_space<vmem>>
    %dma_wait3A_119 = arith.constant 512 : i32
    %dma_wait3A_120 = tpu.memref_slice %arg5[%dma_wait3A_119] : memref<808xi32, #tpu.memory_space<vmem>> -> memref<128xi32, #tpu.memory_space<vmem>>
    %dma_wait3A_121 = arith.constant 0 : i32
    %dma_wait3A_122 = arith.constant 0 : i32
    %dma_wait3A_123 = tpu.memref_slice %arg3[%dma_wait3A_121, %dma_wait3A_122] : memref<1000000x32xf32, #tpu.memory_space<hbm>> -> memref<1000000x32xf32, #tpu.memory_space<hbm>>
    tpu.wait_indirect_dma semaphore(%arg10 : memref<!tpu.dma_semaphore, #tpu.memory_space<semaphore_mem>>) src(%dma_wait3A_123 : memref<1000000x32xf32, #tpu.memory_space<hbm>>) dst(%dma_wait3A_118 : memref<128x32xf32, #tpu.memory_space<vmem>>)
    %dma_wait3A_124 = arith.constant 640 : i32
    %dma_wait3A_125 = arith.constant 0 : i32
    %dma_wait3A_126 = tpu.memref_slice %arg7[%dma_wait3A_124, %dma_wait3A_125] : memref<808x32xf32, #tpu.memory_space<vmem>> -> memref<128x32xf32, #tpu.memory_space<vmem>>
    %dma_wait3A_127 = arith.constant 640 : i32
    %dma_wait3A_128 = tpu.memref_slice %arg5[%dma_wait3A_127] : memref<808xi32, #tpu.memory_space<vmem>> -> memref<128xi32, #tpu.memory_space<vmem>>
    %dma_wait3A_129 = arith.constant 0 : i32
    %dma_wait3A_130 = arith.constant 0 : i32
    %dma_wait3A_131 = tpu.memref_slice %arg3[%dma_wait3A_129, %dma_wait3A_130] : memref<1000000x32xf32, #tpu.memory_space<hbm>> -> memref<1000000x32xf32, #tpu.memory_space<hbm>>
    tpu.wait_indirect_dma semaphore(%arg10 : memref<!tpu.dma_semaphore, #tpu.memory_space<semaphore_mem>>) src(%dma_wait3A_131 : memref<1000000x32xf32, #tpu.memory_space<hbm>>) dst(%dma_wait3A_126 : memref<128x32xf32, #tpu.memory_space<vmem>>)
    %dma_wait3A_132 = arith.constant 768 : i32
    %dma_wait3A_133 = arith.constant 0 : i32
    %dma_wait3A_134 = tpu.memref_slice %arg7[%dma_wait3A_132, %dma_wait3A_133] : memref<808x32xf32, #tpu.memory_space<vmem>> -> memref<40x32xf32, #tpu.memory_space<vmem>>
    %dma_wait3A_135 = arith.constant 768 : i32
    %dma_wait3A_136 = tpu.memref_slice %arg5[%dma_wait3A_135] : memref<808xi32, #tpu.memory_space<vmem>> -> memref<40xi32, #tpu.memory_space<vmem>>
    %dma_wait3A_137 = arith.constant 0 : i32
    %dma_wait3A_138 = arith.constant 0 : i32
    %dma_wait3A_139 = tpu.memref_slice %arg3[%dma_wait3A_137, %dma_wait3A_138] : memref<1000000x32xf32, #tpu.memory_space<hbm>> -> memref<1000000x32xf32, #tpu.memory_space<hbm>>
    tpu.wait_indirect_dma semaphore(%arg10 : memref<!tpu.dma_semaphore, #tpu.memory_space<semaphore_mem>>) src(%dma_wait3A_139 : memref<1000000x32xf32, #tpu.memory_space<hbm>>) dst(%dma_wait3A_134 : memref<40x32xf32, #tpu.memory_space<vmem>>)
    %min3A_140 = arith.constant 129 : i32
    %min3A_141 = arith.constant 127 : i32
    %min3A_142 = arith.minsi %min3A_140, %min3A_141 : i32
    %mul3A_143 = arith.constant 4 : i32
    %mul3A_144 = arith.muli %min3A_142, %mul3A_143 : i32
    %add3A_145 = arith.addi %mul3A_2, %mul3A_144 : i32
    %mul3A_146 = arith.constant 202 : i32
    %mul3A_147 = arith.muli %add3A_145, %mul3A_146 : i32
    %dma_wait3A_148 = tpu.memref_slice %arg2[%mul3A_147] : memref<3309568xi32, #tpu.memory_space<hbm>> -> memref<808xi32, #tpu.memory_space<hbm>>
    %dma_wait3A_149 = tpu.memref_slice %arg2[%mul3A_147] : memref<3309568xi32, #tpu.memory_space<hbm>> -> memref<808xi32, #tpu.memory_space<hbm>>
    tpu.wait_dma2 semaphore(%arg13 : memref<!tpu.dma_semaphore, #tpu.memory_space<semaphore_mem>>) src(%dma_wait3A_149 : memref<808xi32, #tpu.memory_space<hbm>>) dst(%arg6 : memref<808xi32, #tpu.memory_space<vmem>>)
    "tpu.region"() ({
      %run_scoped3A = tpu.sem_alloc : memref<!tpu.dma_semaphore, #tpu.memory_space<semaphore_mem>>
      %dma_start3A_150 = arith.constant 0 : i32
      %dma_start3A_151 = tpu.memref_slice %arg4[%mul3A_2, %dma_start3A_150] : memref<16384x32xf32, #tpu.memory_space<hbm>> -> memref<512x32xf32, #tpu.memory_space<hbm>>
      %dma_start3A_152 = arith.constant 0 : i32
      %dma_start3A_153 = tpu.memref_slice %arg4[%mul3A_2, %dma_start3A_152] : memref<16384x32xf32, #tpu.memory_space<hbm>> -> memref<512x32xf32, #tpu.memory_space<hbm>>
      tpu.enqueue_dma source(%arg9 : memref<512x32xf32, #tpu.memory_space<vmem>>) target(%dma_start3A_153 : memref<512x32xf32, #tpu.memory_space<hbm>>) target_semaphore(%run_scoped3A : memref<!tpu.dma_semaphore, #tpu.memory_space<semaphore_mem>>)
      %dma_wait3A_154 = arith.constant 0 : i32
      %dma_wait3A_155 = tpu.memref_slice %arg4[%mul3A_2, %dma_wait3A_154] : memref<16384x32xf32, #tpu.memory_space<hbm>> -> memref<512x32xf32, #tpu.memory_space<hbm>>
      %dma_wait3A_156 = arith.constant 0 : i32
      %dma_wait3A_157 = tpu.memref_slice %arg4[%mul3A_2, %dma_wait3A_156] : memref<16384x32xf32, #tpu.memory_space<hbm>> -> memref<512x32xf32, #tpu.memory_space<hbm>>
      tpu.wait_dma2 semaphore(%run_scoped3A : memref<!tpu.dma_semaphore, #tpu.memory_space<semaphore_mem>>) src(%arg9 : memref<512x32xf32, #tpu.memory_space<vmem>>) dst(%dma_wait3A_157 : memref<512x32xf32, #tpu.memory_space<hbm>>)
      tpu.yield
    }) : () -> ()
    return
  }
}

module attributes {stable_mosaic.version = 14 : i64} {
  func.func @body(%arg0: memref<16384x202xi32, #tpu.memory_space<vmem>>, %arg1: memref<16384x1xf32, #tpu.memory_space<vmem>>) attributes {dimension_semantics = [], scalar_prefetch = 0 : i64, scratch_operands = 0 : i64, tpu.core_type = #tpu.core_type<tc>} {
    %get3A = arith.constant 0 : index
    %get3A_0 = arith.constant 0 : index
    %get3A_1 = vector.load %arg0[%get3A, %get3A_0] : memref<16384x202xi32, #tpu.memory_space<vmem>>, vector<16384x200xi32>
    %eq3A = arith.constant 1 : i32
    %eq3A_2 = vector.broadcast %eq3A : i32 to vector<16384x200xi32>
    %eq3A_3 = arith.cmpi eq, %get3A_1, %eq3A_2 : vector<16384x200xi32>
    %convert_element_type3A = arith.extui %eq3A_3 : vector<16384x200xi1> to vector<16384x200xi32>
    %convert_element_type3A_4 = arith.sitofp %convert_element_type3A : vector<16384x200xi32> to vector<16384x200xf32>
    %reduce_sum3A = arith.constant dense<0.000000e+00> : vector<16384xf32>
    %reduce_sum3A_5 = vector.multi_reduction <add>, %convert_element_type3A_4, %reduce_sum3A [1] : vector<16384x200xf32> to vector<16384xf32>
    %broadcast_in_dim3A = vector.shape_cast %reduce_sum3A_5 : vector<16384xf32> to vector<16384x1xf32>
    %swap3A = arith.constant 0 : index
    %swap3A_6 = arith.constant 0 : index
    %swap3A_7 = vector.load %arg1[%swap3A, %swap3A_6] : memref<16384x1xf32, #tpu.memory_space<vmem>>, vector<16384x1xf32>
    tpu.vector_store %arg1[%swap3A, %swap3A_6], %broadcast_in_dim3A {strides = array<i32>} : memref<16384x1xf32, #tpu.memory_space<vmem>>, vector<16384x1xf32>,
    return
  }
}

module attributes {stable_mosaic.version = 14 : i64} {
  func.func @head(%arg0: memref<32x16384xf32, #tpu.memory_space<vmem>>, %arg1: memref<1x16384xf32, #tpu.memory_space<vmem>>, %arg2: memref<1x16384xi32, #tpu.memory_space<vmem>>, %arg3: memref<1x16384xi32, #tpu.memory_space<vmem>>, %arg4: memref<32x1xf32, #tpu.memory_space<vmem>>, %arg5: memref<1x1xf32, #tpu.memory_space<smem>>, %arg6: memref<1x1xf32, #tpu.memory_space<smem>>) attributes {dimension_semantics = [], scalar_prefetch = 0 : i64, scratch_operands = 0 : i64, tpu.core_type = #tpu.core_type<tc>} {
    %get3A = arith.constant 0 : index
    %get3A_0 = arith.constant 0 : index
    %get3A_1 = vector.load %arg3[%get3A, %get3A_0] : memref<1x16384xi32, #tpu.memory_space<vmem>>, vector<1x16384xi32>
    %get3A_2 = arith.constant 0 : index
    %get3A_3 = arith.constant 0 : index
    %get3A_4 = vector.load %arg0[%get3A_2, %get3A_3] : memref<32x16384xf32, #tpu.memory_space<vmem>>, vector<32x16384xf32>
    %get3A_5 = arith.constant 0 : index
    %get3A_6 = arith.constant 0 : index
    %get3A_7 = vector.load %arg4[%get3A_5, %get3A_6] : memref<32x1xf32, #tpu.memory_space<vmem>>, vector<32x1xf32>
    %get3A_8 = arith.constant 0 : index
    %get3A_9 = arith.constant 0 : index
    %get3A_10 = vector.load %arg1[%get3A_8, %get3A_9] : memref<1x16384xf32, #tpu.memory_space<vmem>>, vector<1x16384xf32>
    %mul3A = vector.broadcast %get3A_7 : vector<32x1xf32> to vector<32x16384xf32>
    %mul3A_11 = vector.broadcast %get3A_10 : vector<1x16384xf32> to vector<32x16384xf32>
    %mul3A_12 = arith.mulf %mul3A, %mul3A_11 : vector<32x16384xf32>
    %sub3A = arith.subf %get3A_4, %mul3A_12 : vector<32x16384xf32>
    %get3A_13 = arith.constant 0 : index
    %get3A_14 = arith.constant 0 : index
    %get3A_15 = vector.load %arg2[%get3A_13, %get3A_14] : memref<1x16384xi32, #tpu.memory_space<vmem>>, vector<1x16384xi32>
    %convert_element_type3A = arith.sitofp %get3A_15 : vector<1x16384xi32> to vector<1x16384xf32>
    %div3A = vector.broadcast %convert_element_type3A : vector<1x16384xf32> to vector<32x16384xf32>
    %div3A_16 = arith.divf %sub3A, %div3A : vector<32x16384xf32>
    %iota3A = tpu.iota {dimensions = array<i32: 0>} : vector<32x16384xi32>
    %reduce_max3A = arith.constant dense<0xFF800000> : vector<16384xf32>
    %reduce_max3A_17 = vector.multi_reduction <maximumf>, %div3A_16, %reduce_max3A [0] : vector<32x16384xf32> to vector<16384xf32>
    %broadcast_in_dim3A = vector.shape_cast %reduce_max3A_17 : vector<16384xf32> to vector<1x16384xf32>
    %sub3A_18 = vector.broadcast %broadcast_in_dim3A : vector<1x16384xf32> to vector<32x16384xf32>
    %sub3A_19 = arith.subf %div3A_16, %sub3A_18 : vector<32x16384xf32>
    %exp3A = math.exp %sub3A_19 : vector<32x16384xf32>
    %reduce_sum3A = arith.constant dense<0.000000e+00> : vector<16384xf32>
    %reduce_sum3A_20 = vector.multi_reduction <add>, %exp3A, %reduce_sum3A [0] : vector<32x16384xf32> to vector<16384xf32>
    %broadcast_in_dim3A_21 = vector.shape_cast %reduce_sum3A_20 : vector<16384xf32> to vector<1x16384xf32>
    %log3A = math.log %broadcast_in_dim3A_21 : vector<1x16384xf32>
    %add3A = arith.addf %broadcast_in_dim3A, %log3A : vector<1x16384xf32>
    %eq3A = vector.broadcast %get3A_1 : vector<1x16384xi32> to vector<32x16384xi32>
    %eq3A_22 = arith.cmpi eq, %iota3A, %eq3A : vector<32x16384xi32>
    %jit3A = arith.constant 0.000000e+00 : f32
    %broadcast_in_dim3A_23 = vector.broadcast %jit3A : f32 to vector<32x16384xf32>
    %select_n3A = arith.select %eq3A_22, %div3A_16, %broadcast_in_dim3A_23 : vector<32x16384xi1>, vector<32x16384xf32>
    %reduce_sum3A_24 = arith.constant dense<0.000000e+00> : vector<16384xf32>
    %reduce_sum3A_25 = vector.multi_reduction <add>, %select_n3A, %reduce_sum3A_24 [0] : vector<32x16384xf32> to vector<16384xf32>
    %broadcast_in_dim3A_26 = vector.shape_cast %reduce_sum3A_25 : vector<16384xf32> to vector<1x16384xf32>
    %sub3A_27 = arith.subf %add3A, %broadcast_in_dim3A_26 : vector<1x16384xf32>
    %reduce_sum3A_28 = vector.shape_cast %sub3A_27 : vector<1x16384xf32> to vector<1x1x16384xf32>
    %reduce_sum3A_29 = arith.constant dense<0.000000e+00> : vector<1xf32>
    %reduce_sum3A_30 = vector.multi_reduction <add>, %reduce_sum3A_28, %reduce_sum3A_29 [1, 2] : vector<1x1x16384xf32> to vector<1xf32>
    %reduce_sum3A_31 = vector.shape_cast %reduce_sum3A_30 : vector<1xf32> to vector<1x1x1xf32>
    %reduce_sum3A_32 = vector.extract %reduce_sum3A_31[0, 0, 0] : f32 from vector<1x1x1xf32>
    %div3A_33 = arith.constant 1.638400e+04 : f32
    %div3A_34 = arith.divf %reduce_sum3A_32, %div3A_33 : f32
    %swap3A = arith.constant 0 : index
    %swap3A_35 = arith.constant 0 : index
    %swap3A_36 = memref.load %arg5[%swap3A, %swap3A_35] : memref<1x1xf32, #tpu.memory_space<smem>>
    memref.store %div3A_34, %arg5[%swap3A, %swap3A_35] : memref<1x1xf32, #tpu.memory_space<smem>>
    %eq3A_37 = vector.broadcast %broadcast_in_dim3A : vector<1x16384xf32> to vector<32x16384xf32>
    %eq3A_38 = arith.cmpf oeq, %div3A_16, %eq3A_37 : vector<32x16384xf32>
    %jit3A_39 = arith.constant 32 : i32
    %broadcast_in_dim3A_40 = vector.broadcast %jit3A_39 : i32 to vector<32x16384xi32>
    %select_n3A_41 = arith.select %eq3A_38, %iota3A, %broadcast_in_dim3A_40 : vector<32x16384xi1>, vector<32x16384xi32>
    %reduce_min3A = arith.constant dense<2147483647> : vector<16384xi32>
    %reduce_min3A_42 = vector.multi_reduction <minsi>, %select_n3A_41, %reduce_min3A [0] : vector<32x16384xi32> to vector<16384xi32>
    %broadcast_in_dim3A_43 = vector.shape_cast %reduce_min3A_42 : vector<16384xi32> to vector<1x16384xi32>
    %eq3A_44 = arith.cmpi eq, %broadcast_in_dim3A_43, %get3A_1 : vector<1x16384xi32>
    %convert_element_type3A_45 = arith.extui %eq3A_44 : vector<1x16384xi1> to vector<1x16384xi32>
    %convert_element_type3A_46 = arith.sitofp %convert_element_type3A_45 : vector<1x16384xi32> to vector<1x16384xf32>
    %reduce_sum3A_47 = vector.shape_cast %convert_element_type3A_46 : vector<1x16384xf32> to vector<1x1x16384xf32>
    %reduce_sum3A_48 = arith.constant dense<0.000000e+00> : vector<1xf32>
    %reduce_sum3A_49 = vector.multi_reduction <add>, %reduce_sum3A_47, %reduce_sum3A_48 [1, 2] : vector<1x1x16384xf32> to vector<1xf32>
    %reduce_sum3A_50 = vector.shape_cast %reduce_sum3A_49 : vector<1xf32> to vector<1x1x1xf32>
    %reduce_sum3A_51 = vector.extract %reduce_sum3A_50[0, 0, 0] : f32 from vector<1x1x1xf32>
    %div3A_52 = arith.constant 1.638400e+04 : f32
    %div3A_53 = arith.divf %reduce_sum3A_51, %div3A_52 : f32
    %swap3A_54 = arith.constant 0 : index
    %swap3A_55 = arith.constant 0 : index
    %swap3A_56 = memref.load %arg6[%swap3A_54, %swap3A_55] : memref<1x1xf32, #tpu.memory_space<smem>>
    memref.store %div3A_53, %arg6[%swap3A_54, %swap3A_55] : memref<1x1xf32, #tpu.memory_space<smem>>
    return
  }
}

</mosaic_0001>

<sc_bundles>
// kernel: kernel.5.cloned.1.call-start
scs
__scs_entry_jumppad:
0x0: {  	(pc) =	sbr.rel $0x88, $3  }
0x1: {  	(tag) =	ssettag $0x0;
	lr =	simm.s32 $0x1  }
0x2: {  	[smem:$0x3F9F] =	sst lr;
	_ =	strace $0xD0000000  }
0x3: {  	_ = 	snop  }
0x4: {  	_ = 	snop  }
0x5: {  	_ = 	snop  }
0x6: {  	_ = 	snop  }
0x7: {  	_ = 	snop  }
__scs_overlays_trampoline_lowered:
0x8: {  	[smem:$0x3FAE] =	sst s0  }
0x9: {  	[smem:$0x3FAF] =	sst s1  }
0xa: {  	[smem:$0x3FB0] =	sst s2  }
0xb: {  	[smem:$0x3FB1] =	sst s3  }
0xc: {  	[smem:$0x3FB2] =	sst s4  }
0xd: {  	[smem:$0x3FB3] =	sst s5  }
0xe: {  	[smem:$0x3FB4] =	sst s6  }
0xf: {  	[smem:$0x3FB5] =	sst s7  }
0x10: {  	[smem:$0x3FB6] =	sst s8  }
0x11: {  	[smem:$0x3FB7] =	sst s9;
	s0 =	simm.s32 @!p0 $0x0  }
0x12: {  	s1 =	sld [smem:$0x3F9D];
	s0 =	simm.s32 @p0 $0x1  }
0x13: {  	[smem:$0x3FB8] =	sst s0;
	s0 =	simm.s32 @!p1 $0x0  }
0x14: {  	s2 =	sld [smem:$0x3F9C];
	s0 =	simm.s32 @p1 $0x1  }
0x15: {  	[smem:$0x3FB9] =	sst s0;
	s0 =	simm.s32 @!p2 $0x0  }
0x16: {  	s3 =	sld [smem:$0x3FDB];
	s0 =	simm.s32 @p2 $0x1  }
0x17: {  	s4 =	simm.s32 $0x1BF5;
	[smem:$0x3FBB] =	sst s0  }
0x18: {  	s0 =	sld [smem:$0x3F9E];
	_ =	swait.ge [sflag:s4], $0x0  }
0x19: {  	s7 =	sld [smem:$0x3F9F]  }
0x1a: {  	s8 =	sadd.s32 $0xFFFFE003, lr  }
0x1b: {  	s9 =	sadd.s32 $0xFFFFFEF7, lr;
	s5 =	simm.s32 $0xFFFFFFFF;
	p2 =	slt.u32 s8, $0xFFFFF086  }
0x1c: {  	p1 =	slt.u32 s9, $0xF7A;
	s5 =	simm.s32 @!p2 $0x0  }
0x1d: {  	s5 =	simm.s32 @p1 $0x1;
	p0 =	seq.s32 s7, s2  }
0x1e: {  	s7 =	smul.u32 @!p0 $0xF7A, s2;
	p2 =	seq.s32 @!p0 s5, $0x0  }
0x1f: {  	s9 =	smul.u32 $0xF7A, s1;
	s8 =	simm.s32 @!p0 $0x1BF5;
	p2 =	por !p2, p0  }
0x20: {  	[sflag:s8] =	ssyncset.s32 @!p0 $0xFFFFF086;
	s6 =	sadd.s32 @!p0 s3, s7;
	s7 =	simm.s32 @!p0 $0x108  }
0x21: {  	s3 =	sadd.s32 s3, s9;
	s6 =	sadd.s32 @!p0 $0x88, s6;
	s7 =	simm.s32 @p2 $0x1082  }
0x22: {  	[simem:s7], [sflag:s8] =	dma.local @!p0 [hbm:s6], $0xF7A  }
0x23: {  	s9 =	sor.u32 $0xD0000000, s2;
	s6 =	simm.s32 $0x108;
	_ =	swait.ge @!p0 [sflag:s8], $0x0  }
0x24: {  	s3 =	sadd.s32 $0x88, s3;
	s6 =	simm.s32 @!p1 $0x1082;
	[sflag:s4] =	ssyncset.s32 $0xFFFFF086  }
0x25: {  	[simem:s6], [sflag:s4] =	dma.local [hbm:s3], $0xF7A  }
0x26: {  	[smem:$0x3F9F] =	sst s1;
	(tag) =	ssettag s2;
	_ =	strace s9  }
0x27: {  	s1 =	sld [smem:$0x3FAF]  }
0x28: {  	s2 =	sld [smem:$0x3FB0]  }
0x29: {  	s4 =	sld [smem:$0x3FB2]  }
0x2a: {  	p0 =	seq.s32 s5, $0x0;
	s5 =	sld [smem:$0x3FB3]  }
0x2b: {  	s6 =	sld [smem:$0x3FB4]  }
0x2c: {  	s7 =	sld [smem:$0x3FB5]  }
0x2d: {  	s3 =	simm.s32 $0x108;
	s8 =	sld [smem:$0x3FB6]  }
0x2e: {  	s3 =	simm.s32 @!p0 $0x1082;
	s9 =	sld [smem:$0x3FB7]  }
0x2f: {  	lr =	sadd.s32 s0, s3;
	s0 =	sld [smem:$0x3FAE]  }
0x30: {  	s3 =	sld [smem:$0x3FB1]  }
0x31: {  	[smem:$0x3FBA] =	sst s10  }
0x32: {  	s10 =	sld [smem:$0x3FB8];
	_ =	sdelay $0x3  }
0x33: {  	p0 =	seq.s32 s10, $0x1;
	s10 =	sld [smem:$0x3FBA];
	_ =	sdelay $0x3  }
0x34: {  	[smem:$0x3FBA] =	sst s10  }
0x35: {  	s10 =	sld [smem:$0x3FB9];
	_ =	sdelay $0x3  }
0x36: {  	p1 =	seq.s32 s10, $0x1;
	s10 =	sld [smem:$0x3FBA];
	_ =	sdelay $0x3  }
0x37: {  	[smem:$0x3FBA] =	sst s10  }
0x38: {  	s10 =	sld [smem:$0x3FBB]  }
0x39: {  	_ = 	snop;
	(pc) =	sbr.ind lr, $3  }
0x3a: {  	_ = 	snop  }
0x3b: {  	_ = 	snop  }
0x3c: {  	p2 =	seq.s32 s10, $0x1;
	s10 =	sld [smem:$0x3FBA]  }
0x3d: {  	_ =	shalt  }
0x3e: {  	_ =	shalt  }
0x3f: {  	_ =	shalt  }
0x40: {  	_ =	shalt  }
0x41: {  	_ =	shalt  }
0x42: {  	_ =	shalt  }
0x43: {  	_ =	shalt  }
0x44: {  	_ =	shalt  }
0x45: {  	_ =	shalt  }
0x46: {  	_ =	shalt  }
0x47: {  	_ =	shalt  }
0x48: {  	_ =	shalt  }
0x49: {  	_ =	shalt  }
0x4a: {  	_ =	shalt  }
0x4b: {  	_ =	shalt  }
0x4c: {  	_ =	shalt  }
0x4d: {  	_ =	shalt  }
0x4e: {  	_ =	shalt  }
0x4f: {  	_ =	shalt  }
0x50: {  	_ =	shalt  }
0x51: {  	_ =	shalt  }
0x52: {  	_ =	shalt  }
0x53: {  	_ =	shalt  }
0x54: {  	_ =	shalt  }
0x55: {  	_ =	shalt  }
0x56: {  	_ =	shalt  }
0x57: {  	_ =	shalt  }
0x58: {  	_ =	shalt  }
0x59: {  	_ =	shalt  }
0x5a: {  	_ =	shalt  }
0x5b: {  	_ =	shalt  }
0x5c: {  	_ =	shalt  }
0x5d: {  	_ =	shalt  }
0x5e: {  	_ =	shalt  }
0x5f: {  	_ =	shalt  }
0x60: {  	_ =	shalt  }
0x61: {  	_ =	shalt  }
0x62: {  	_ =	shalt  }
0x63: {  	_ =	shalt  }
0x64: {  	_ =	shalt  }
0x65: {  	_ =	shalt  }
0x66: {  	_ =	shalt  }
0x67: {  	_ =	shalt  }
0x68: {  	_ =	shalt  }
0x69: {  	_ =	shalt  }
0x6a: {  	_ =	shalt  }
0x6b: {  	_ =	shalt  }
0x6c: {  	_ =	shalt  }
0x6d: {  	_ =	shalt  }
0x6e: {  	_ =	shalt  }
0x6f: {  	_ =	shalt  }
0x70: {  	_ =	shalt  }
0x71: {  	_ =	shalt  }
0x72: {  	_ =	shalt  }
0x73: {  	_ =	shalt  }
0x74: {  	_ =	shalt  }
0x75: {  	_ =	shalt  }
0x76: {  	_ =	shalt  }
0x77: {  	_ =	shalt  }
0x78: {  	_ =	shalt  }
0x79: {  	_ =	shalt  }
0x7a: {  	_ =	shalt  }
0x7b: {  	_ =	shalt  }
0x7c: {  	_ =	shalt  }
0x7d: {  	_ =	shalt  }
0x7e: {  	_ =	shalt  }
0x7f: {  	_ =	shalt  }
0x80: {  	_ =	shalt  }
0x81: {  	_ =	shalt  }
0x82: {  	_ =	shalt  }
0x83: {  	_ =	shalt  }
0x84: {  	_ =	shalt  }
0x85: {  	_ =	shalt  }
0x86: {  	_ =	shalt  }
0x87: {  	_ =	shalt  }
.Lfunc_end0:
.L_simem_size_0:
called_computation_lowered:
.L_overlay_start_0:
0x88: {  	s2 =	sld [smem:$0x3FD9]  }
0x89: {  	s3 =	sld [smem:$0x3FFE];
	_ =	sdelay $0x1  }
0x8a: {  	s1 =	srdreg.scid  }
0x8b: {  	s0 =	sand.u32 $0x1, s1  }
0x8c: {  	s16 =	sshll.u32 s0, $0xA;
	s2 =	sadd.s32 s3, s2  }
0x8d: {  	s2 =	sadd.s32 s2, s16  }
0x8e: {  	[smem:$0x3FC6] =	sst s2  }
0x8f: {  	_ = 	snop  }
0x90: {  	(tm) =	ssettm $0x1  }
0x91: {  	s17 =	sld [smem:$0x3FFB];
	_ =	sdelay $0x3  }
0x92: {  	_ =	strace s17  }
0x93: {  	s2 =	sld [smem:$0x3FFC];
	_ =	sdelay $0x3  }
0x94: {  	_ =	strace s2  }
0x95: {  	s2 =	sld [smem:$0x3FFD];
	_ =	sdelay $0x3  }
0x96: {  	_ =	strace s2  }
0x97: {  	_ =	strace $0x8FFFFFFF  }
0x98: {  	s18 =	sld [smem:$0x3FDB];
	_ =	sdelay $0x1  }
0x99: {  	s19 =	simm.s32 $_scs_section_size  }
0x9a: {  	s4 =	simm.s32 $_size__tile_overlayer_lowered;
	s5 =	simm.s32 $_tile_overlayer_lowered  }
0x9b: {  	s22 =	simm.s32 $0x1BFF;
	s21 =	sshll.u32 s5, $0x1;
	s2 =	sadd.s32 s19, s18  }
0x9c: {  	s6 =	simm.s32 $0x0;
	s20 =	sshll.u32 s4, $0x1;
	s4 =	sadd.s32 s21, s2  }
0x9d: {  	[timem:s6], [sflag:s22] =	dma.local [hbm:s4], s20  }
0x9e: {  	_ =	swait.ge [sflag:s22], s20  }
0x9f: {  	s3 =	ssub.s32 $0x0, s20;
	[sflag:s22] =	ssyncset.done $0x0  }
0xa0: {  	[sflag:s22] =	ssyncadd.s32 s3;
	_ =	sdelay $0x1  }
0xa1: {  	s23 =	simm.s32 $0x1B8B  }
0xa2: {  	_ =	swait.ge [sflag:s23], $0x1  }
0xa3: {  	[sflag:s23] =	ssyncset.done $0x0  }
0xa4: {  	s25 =	simm.s32 $0x1B8E;
	s24 =	sld [smem:$0x3FFE];
	[sflag:s23] =	ssyncadd.s32 $0xFFFFFFFF  }
0xa5: {  	s26 =	simm.s32 $execute0_lowered;
	[smem:$0x3FD2] =	sst s25  }
0xa6: {  	s4 =	sshll.u32 s26, $0x1;
	_ =	strace $0x80000046;
	[dreg:$0x1] =	wrdreg $0xFFFFFFFF  }
0xa7: {  	s28 =	simm.s32 $_size_execute0_lowered;
	s2 =	sadd.s32 s2, s4;
	[dreg:$0x0] =	wrdreg $0x0  }
0xa8: {  	s4 =	sshll.u32 s28, $0x1;
	[dreg:$0x2] =	wrdreg s2  }
0xa9: {  	[dreg:$0x3] =	wrdreg s4  }
0xaa: {  	[dreg:$0x4] =	wrdreg $0xC0  }
0xab: {  	_ =	task [dreg:s6], $0x5FFFF  }
0xac: {  	[dreg:$0x1] =	wrdreg $0xFFFFFFFF  }
0xad: {  	[dreg:$0x0] =	wrdreg $0x60  }
0xae: {  	[dreg:$0x2] =	wrdreg s24  }
0xaf: {  	[dreg:$0x3] =	wrdreg $0x9  }
0xb0: {  	_ =	task.clear_ibuf [dreg:s6], $0x4FFFF;
	_ =	strace $0x90000046  }
0xb1: {  	s29 =	simm.s32 $0x9;
	_ =	strace $0x80000048  }
0xb2: {  	_ =	swait.ge [sflag:s29], $0x1  }
0xb3: {  	[sflag:s29] =	ssyncadd.s32 $0xFFFFFFFF  }
0xb4: {  	_ =	strace $0x90000048  }
0xb5: {  	_ =	sfence  }
0xb6: {  	s30 =	sld [smem:$0x0];
	_ =	sdelay $0x2  }
0xb7: {  	s31 =	sshll.u32 s1, $0xD;
	s1 =	sshrl.u32 s1, $0x2  }
0xb8: {  	s3 =	sand.u32 $0x4000, s31;
	s1 =	sadd.s32 s1, s30  }
0xb9: {  	s0 =	sor.u32 s3, s0;
	s1 =	sshll.u32 s1, $0x11  }
0xba: {  	s0 =	sor.u32 s1, s0  }
0xbb: {  	s0 =	sadd.s32 $0x8F2B, s0  }
0xbc: {  	[sflag:s0] =	ssyncadd.remote.s32 $0x1  }
0xbd: {  	_ =	sfence.sel $0xFFFF  }
0xbe: {  	[dreg:$0x0] =	wrdreg $0xFFFFFFFF;
	(pc) =	sbr.abs _section_cstart, $3  }
0xbf: {  	[dreg:$0x1] =	wrdreg $0xFFFFFFFF  }
0xc0: {  	_ =	task.clear_ibuf [dreg:s6], $0x2FFFF;
	_ =	strace $0x9FFFFFFF  }
0xc1: {  	(tm) =	ssettm $0x7FFFFFFF  }
tec
execute0_lowered:
.L_overlay_start_1:
0x0: {  	(tag) =	ssettag $0x1  }
0x1: {  	s0 =	rddreg [dreg:$0x0];
	s1 =	srdreg.scid  }
0x2: {  	s2 =	stileid.u32;
	s9 =	simm.s32 $0x0;
	s11 =	simm.s32 $0x3  }
0x3: {  	s12 =	simm.s32 $0x80;
	s14 =	simm.s32 $0x1650;
	s15 =	simm.s32 $0x100  }
0x4: {  	s16 =	simm.s32 $0x2650;
	s17 =	simm.s32 $0x180;
	s18 =	simm.s32 $0x3650  }
0x5: {  	s19 =	simm.s32 $0x200;
	s20 =	simm.s32 $0x4650;
	s21 =	simm.s32 $0x280  }
0x6: {  	s22 =	simm.s32 $0x5650;
	s23 =	simm.s32 $0x28;
	s24 =	simm.s32 $0x300  }
0x7: {  	s25 =	simm.s32 $0x6650;
	s28 =	simm.s32 $0x1;
	s29 =	simm.s32 $0x4  }
0x8: {  	s31 =	simm.s32 $0xBB50;
	s10 =	simm.s32 $0x0;
	s1 =	sand.u32 $0x1, s1  }
0x9: {  	s2 =	sshll.u32 s2, $0x1;
	[smem:$0x7FF] =	sst s9;
	s3 =	sadd.s32 $0x80600, s0  }
0xa: {  	s4 =	sadd.s32 $0x1027A00, s0;
	s2 =	sor.u32 s1, s2;
	_ =	strace $0x80000047  }
0xb: {  	s1 =	ssub.s32 $0x2, s1;
	s5 =	smul.u32 $0x3280, s2;
	s6 =	sshll.u32 s2, $0xB  }
0xc: {  	s26 =	sshrl.u32 s1, $0x1;
	s2 =	sshll.u32 s2, $0x9;
	s0 =	sadd.s32 s6, s0  }
0xd: {  	s1 =	ssub.s32 s1, s26;
	s7 =	sor.u32 $0x8, s2;
	s5 =	sadd.s32 s3, s5  }
0xe: {  	s8 =	sor.u32 $0xC, s2;
	s0 =	sadd.s32 $0xE5600, s0;
	[dreg:$0x2] =	wrdreg s5  }
0xf: {  	s26 =	simm.s32 $0x328;
	s30 =	smax.u32 s1, $0x1;
	[dreg:$0x4] =	wrdreg s0  }
0x10: {  	s6 =	simm.s32 $0x2;
	s5 =	sadd.s32 $0x65, s5;
	[dreg:$0x5] =	wrdreg s30  }
0x11: {  	s1 =	simm.s32 $0xCB50;
	s0 =	simm.s32 $0x628;
	[dreg:$0x3] =	wrdreg s5  }
.LBB2_1:
0x12: {  	[dreg:$0x6] =	wrdreg s10  }
0x13: {  	s2 =	rddreg [dreg:$0x2]  }
0x14: {  	[tilespmem:s9], [sflag:$0x3] =	stream.linear.gather [hbm4b:s2+s9], $0x328, $0x38;
	[tilespmem:$0x11050] =	vst v63  }
0x15: {  	_ =	swait.ge [sflag:s11], $0x328  }
0x16: {  	[sflag:s11] =	ssyncset.done $0x0  }
0x17: {  	s13 =	simm.s32 $0x650;
	[sflag:s11] =	ssyncadd.s32 $0xFFFFFCD8  }
0x18: {  	[tilespmem:s13], [sflag:$0x1] =	stream.indirect.gather [hbm4b:s4+s12], $0x20, s9, s12, $0xb8;
	[tilespmem:$0x11050] =	vst v63  }
0x19: {  	_ = 	snop  }
0x1a: {  	[tilespmem:s14], [sflag:$0x1] =	stream.indirect.gather [hbm4b:s4+s12], $0x20, s12, s12, $0xb8;
	[tilespmem:$0x11050] =	vst v63  }
0x1b: {  	_ = 	snop  }
0x1c: {  	[tilespmem:s16], [sflag:$0x1] =	stream.indirect.gather [hbm4b:s4+s12], $0x20, s15, s12, $0xb8;
	[tilespmem:$0x11050] =	vst v63  }
0x1d: {  	_ = 	snop  }
0x1e: {  	[tilespmem:s18], [sflag:$0x1] =	stream.indirect.gather [hbm4b:s4+s12], $0x20, s17, s12, $0xb8;
	[tilespmem:$0x11050] =	vst v63  }
0x1f: {  	_ = 	snop  }
0x20: {  	[tilespmem:s20], [sflag:$0x1] =	stream.indirect.gather [hbm4b:s4+s12], $0x20, s19, s12, $0xb8;
	[tilespmem:$0x11050] =	vst v63  }
0x21: {  	_ = 	snop  }
0x22: {  	[tilespmem:s22], [sflag:$0x1] =	stream.indirect.gather [hbm4b:s4+s12], $0x20, s21, s12, $0xb8;
	[tilespmem:$0x11050] =	vst v63  }
0x23: {  	_ = 	snop  }
0x24: {  	[tilespmem:s25], [sflag:$0x1] =	stream.indirect.gather [hbm4b:s4+s23], $0x20, s24, s23, $0xb8;
	[tilespmem:$0x11050] =	vst v63  }
0x25: {  	s30 =	rddreg [dreg:$0x3]  }
0x26: {  	[tilespmem:s26], [sflag:$0x4] =	stream.linear.gather [hbm4b:s30+s9], $0x328, $0x38;
	[tilespmem:$0x11050] =	vst v63  }
0x27: {  	s9 =	simm.s32 $0x0  }
.LBB2_2:
0x28: {  	_ =	swait.ge [sflag:s28], $0x1000  }
0x29: {  	[sflag:s28] =	ssyncset.done $0x0  }
0x2a: {  	[sflag:s28] =	ssyncadd.s32 $0xFFFFF000  }
0x2b: {  	_ =	swait.ge [sflag:s28], $0x1000  }
0x2c: {  	[sflag:s28] =	ssyncset.done $0x0  }
0x2d: {  	[sflag:s28] =	ssyncadd.s32 $0xFFFFF000  }
0x2e: {  	_ =	swait.ge [sflag:s28], $0x1000  }
0x2f: {  	[sflag:s28] =	ssyncset.done $0x0  }
0x30: {  	[sflag:s28] =	ssyncadd.s32 $0xFFFFF000  }
0x31: {  	_ =	swait.ge [sflag:s28], $0x1000  }
0x32: {  	[sflag:s28] =	ssyncset.done $0x0  }
0x33: {  	[sflag:s28] =	ssyncadd.s32 $0xFFFFF000  }
0x34: {  	_ =	swait.ge [sflag:s28], $0x1000  }
0x35: {  	s5 =	sshll.u32 s9, $0x1;
	[sflag:s28] =	ssyncset.done $0x0  }
0x36: {  	s2 =	smin.u32 s5, $0x7D;
	[sflag:s28] =	ssyncadd.s32 $0xFFFFF000  }
0x37: {  	s2 =	sshll.u32 s2, $0x2;
	_ =	swait.ge [sflag:s28], $0x1000  }
0x38: {  	s2 =	sadd.s32 s2, s7;
	[sflag:s28] =	ssyncset.done $0x0  }
0x39: {  	s2 =	smul.u32 $0xCA, s2;
	[sflag:s28] =	ssyncadd.s32 $0xFFFFF000  }
0x3a: {  	_ =	swait.ge [sflag:s28], $0x500  }
0x3b: {  	s2 =	sshrl.u32 s2, $0x3;
	[sflag:s28] =	ssyncset.done $0x0  }
0x3c: {  	s10 =	simm.s32 $0x0;
	s2 =	sadd.s32 s3, s2;
	[sflag:s28] =	ssyncadd.s32 $0xFFFFFB00  }
0x3d: {  	[tilespmem:s10], [sflag:$0x3] =	stream.linear.gather [hbm4b:s2+s10], $0x328, $0x38;
	[tilespmem:$0x11050] =	vst v63  }
0x3e: {  	_ =	swait.ge [sflag:s29], $0x328  }
0x3f: {  	[sflag:s29] =	ssyncset.done $0x0  }
0x40: {  	s10 =	simm.s32 $0x6B50;
	[sflag:s29] =	ssyncadd.s32 $0xFFFFFCD8  }
0x41: {  	[tilespmem:s10], [sflag:$0x2] =	stream.indirect.gather [hbm4b:s4+s12], $0x20, s26, s12, $0xb8;
	[tilespmem:$0x11050] =	vst v63  }
0x42: {  	s13 =	simm.s32 $0x3A8;
	s30 =	simm.s32 $0x7B50  }
0x43: {  	[tilespmem:s30], [sflag:$0x2] =	stream.indirect.gather [hbm4b:s4+s12], $0x20, s13, s12, $0xb8;
	[tilespmem:$0x11050] =	vst v63  }
0x44: {  	s13 =	simm.s32 $0x428;
	s30 =	simm.s32 $0x8B50  }
0x45: {  	[tilespmem:s30], [sflag:$0x2] =	stream.indirect.gather [hbm4b:s4+s12], $0x20, s13, s12, $0xb8;
	[tilespmem:$0x11050] =	vst v63  }
0x46: {  	s13 =	simm.s32 $0x4A8;
	s30 =	simm.s32 $0x9B50  }
0x47: {  	[tilespmem:s30], [sflag:$0x2] =	stream.indirect.gather [hbm4b:s4+s12], $0x20, s13, s12, $0xb8;
	[tilespmem:$0x11050] =	vst v63  }
0x48: {  	s10 =	simm.s32 $0x528;
	s13 =	simm.s32 $0xAB50  }
0x49: {  	[tilespmem:s13], [sflag:$0x2] =	stream.indirect.gather [hbm4b:s4+s12], $0x20, s10, s12, $0xb8;
	[tilespmem:$0x11050] =	vst v63  }
0x4a: {  	s30 =	simm.s32 $0x5A8  }
0x4b: {  	[tilespmem:s31], [sflag:$0x2] =	stream.indirect.gather [hbm4b:s4+s12], $0x20, s30, s12, $0xb8;
	[tilespmem:$0x11050] =	vst v63  }
0x4c: {  	s13 =	simm.s32 $0x0  }
0x4d: {  	[tilespmem:s1], [sflag:$0x2] =	stream.indirect.gather [hbm4b:s4+s23], $0x20, s0, s23, $0xb8;
	[tilespmem:$0x11050] =	vst v63  }
0x4e: {  	v0 =	vld [tilespmem:s13+$0x6C0]  }
0x4f: {  	v1 =	vld [tilespmem:s13+$0x650]  }
0x50: {  	v2 =	vld [tilespmem:s13+$0x660]  }
0x51: {  	v5 =	vld [tilespmem:s13+$0x670]  }
0x52: {  	v6 =	vld [tilespmem:s13+$0x680]  }
0x53: {  	v3 =	vimm.f32 $0.0e+00;
	v4 =	vimm.f32 $0.0e+00;
	v7 =	vld [tilespmem:s13+$0x690]  }
0x54: {  	v10 =	vimm.f32 $0.0e+00;
	v8 =	vimm.f32 $0.0e+00;
	v11 =	vld [tilespmem:s13+$0x6A0];
	v0 =	vadd.f32 v0, v3  }
0x55: {  	v9 =	vimm.f32 $0.0e+00;
	s2 =	simm.s32 $0x400;
	s10 =	simm.s32 $0x80;
	v12 =	vld [tilespmem:s13+$0x6B0];
	v1 =	vadd.f32 v1, v3;
	v2 =	vadd.f32 v2, v3  }
.LBB2_3:
0x56: {  	p0 =	sne.s32 s2, $0x6200;
	v13 =	vld [tilespmem:s10+$0x6C0];
	v3 =	vadd.f32 v5, v3  }
0x57: {  	v14 =	vld [tilespmem:s10+$0x650];
	v4 =	vadd.f32 v6, v4  }
0x58: {  	v15 =	vld [tilespmem:s10+$0x660];
	v10 =	vadd.f32 v7, v10  }
.Ltmp0:
0x59: {  	v5 =	vld [tilespmem:s10+$0x670];
	v8 =	vadd.f32 v11, v8;
	(pc) =	sbr.rel @p0 .LBB2_3-.Ltmp0, $4  }
0x5a: {  	v6 =	vld [tilespmem:s10+$0x680];
	v9 =	vadd.f32 v12, v9  }
0x5b: {  	v7 =	vld [tilespmem:s10+$0x690];
	v0 =	vadd.f32 v13, v0  }
0x5c: {  	v1 =	vadd.f32 v14, v1;
	v11 =	vld [tilespmem:s10+$0x6A0]  }
0x5d: {  	v2 =	vadd.f32 v15, v2;
	v12 =	vld [tilespmem:s10+$0x6B0];
	s10 =	sshra.s32 s2, $0x2;
	s2 =	sadd.s32 $0x200, s2  }
0x5e: {  	v13 =	vld [tilespmem:s10+$0x6C0]  }
0x5f: {  	v14 =	vld [tilespmem:s10+$0x650]  }
0x60: {  	v15 =	vld [tilespmem:s10+$0x660]  }
0x61: {  	v16 =	vld [tilespmem:s10+$0x670]  }
0x62: {  	v17 =	vld [tilespmem:s10+$0x680]  }
0x63: {  	v18 =	vld [tilespmem:s10+$0x690]  }
0x64: {  	v3 =	vadd.f32 v5, v3;
	v5 =	vld [tilespmem:s10+$0x6B0]  }
0x65: {  	v4 =	vadd.f32 v6, v4;
	v6 =	vadd.f32 v7, v10;
	v7 =	vld [tilespmem:s10+$0x6A0]  }
0x66: {  	v8 =	vadd.f32 v11, v8;
	v9 =	vadd.f32 v12, v9  }
0x67: {  	v0 =	vadd.f32 v13, v0;
	v1 =	vadd.f32 v14, v1  }
0x68: {  	v2 =	vadd.f32 v15, v2;
	v3 =	vadd.f32 v16, v3  }
0x69: {  	v6 =	vadd.f32 v18, v6;
	v5 =	vadd.f32 v5, v9  }
0x6a: {  	v4 =	vadd.f32 v17, v4;
	v7 =	vadd.f32 v7, v8  }
0x6b: {  	v1 =	vadd.f32 v3, v1;
	v3 =	vadd.f32 v5, v6  }
0x6c: {  	v2 =	vadd.f32 v4, v2;
	v0 =	vadd.f32 v0, v7  }
0x6d: {  	s2 =	sshll.u32 s9, $0xA;
	v1 =	vadd.f32 v3, v1  }
0x6e: {  	s10 =	sshra.s32 s2, $0x2;
	v0 =	vadd.f32 v0, v2  }
0x6f: {  	[tilespmem:s10+$0xD050] =	vst v1  }
0x70: {  	s30 =	simm.s32 $0x0;
	[tilespmem:s10+$0xD060] =	vst v0  }
0x71: {  	v0 =	vld [tilespmem:s30+$0x2000]  }
0x72: {  	v1 =	vld [tilespmem:s30+$0x1F90]  }
0x73: {  	v2 =	vld [tilespmem:s30+$0x1FA0]  }
0x74: {  	v5 =	vld [tilespmem:s30+$0x1FB0]  }
0x75: {  	v6 =	vld [tilespmem:s30+$0x1FC0]  }
0x76: {  	v10 =	vimm.f32 $0.0e+00;
	v3 =	vimm.f32 $0.0e+00;
	v7 =	vld [tilespmem:s30+$0x1FD0]  }
0x77: {  	v9 =	vimm.f32 $0.0e+00;
	v4 =	vimm.f32 $0.0e+00;
	v11 =	vld [tilespmem:s30+$0x1FE0];
	v0 =	vadd.f32 v0, v3  }
0x78: {  	s13 =	simm.s32 $0x400;
	s2 =	simm.s32 $0x80;
	v8 =	vimm.f32 $0.0e+00;
	v12 =	vld [tilespmem:s30+$0x1FF0];
	v1 =	vadd.f32 v1, v3;
	v2 =	vadd.f32 v2, v3  }
.LBB2_5:
0x79: {  	p0 =	sne.s32 s13, $0x6200;
	v13 =	vld [tilespmem:s2+$0x2000];
	v3 =	vadd.f32 v5, v3  }
0x7a: {  	v14 =	vld [tilespmem:s2+$0x1F90];
	v4 =	vadd.f32 v6, v4  }
0x7b: {  	v15 =	vld [tilespmem:s2+$0x1FA0];
	v10 =	vadd.f32 v7, v10  }
.Ltmp1:
0x7c: {  	v5 =	vld [tilespmem:s2+$0x1FB0];
	v8 =	vadd.f32 v11, v8;
	(pc) =	sbr.rel @p0 .LBB2_5-.Ltmp1, $4  }
0x7d: {  	v6 =	vld [tilespmem:s2+$0x1FC0];
	v9 =	vadd.f32 v12, v9  }
0x7e: {  	v7 =	vld [tilespmem:s2+$0x1FD0];
	v0 =	vadd.f32 v13, v0  }
0x7f: {  	v1 =	vadd.f32 v14, v1;
	v11 =	vld [tilespmem:s2+$0x1FE0]  }
0x80: {  	v2 =	vadd.f32 v15, v2;
	v12 =	vld [tilespmem:s2+$0x1FF0];
	s2 =	sshra.s32 s13, $0x2;
	s13 =	sadd.s32 $0x200, s13  }
0x81: {  	v13 =	vld [tilespmem:s2+$0x2000]  }
0x82: {  	v14 =	vld [tilespmem:s2+$0x1F90]  }
0x83: {  	v15 =	vld [tilespmem:s2+$0x1FA0]  }
0x84: {  	v16 =	vld [tilespmem:s2+$0x1FB0]  }
0x85: {  	v17 =	vld [tilespmem:s2+$0x1FC0]  }
0x86: {  	v18 =	vld [tilespmem:s2+$0x1FD0]  }
0x87: {  	v3 =	vadd.f32 v5, v3;
	v5 =	vld [tilespmem:s2+$0x1FF0]  }
0x88: {  	v4 =	vadd.f32 v6, v4;
	v6 =	vadd.f32 v7, v10;
	v7 =	vld [tilespmem:s2+$0x1FE0]  }
0x89: {  	v8 =	vadd.f32 v11, v8;
	v9 =	vadd.f32 v12, v9  }
0x8a: {  	v0 =	vadd.f32 v13, v0;
	v1 =	vadd.f32 v14, v1  }
0x8b: {  	v2 =	vadd.f32 v15, v2;
	v3 =	vadd.f32 v16, v3  }
0x8c: {  	v6 =	vadd.f32 v18, v6;
	v5 =	vadd.f32 v5, v9  }
0x8d: {  	v4 =	vadd.f32 v17, v4;
	v7 =	vadd.f32 v7, v8  }
0x8e: {  	v1 =	vadd.f32 v3, v1;
	v3 =	vadd.f32 v5, v6  }
0x8f: {  	v2 =	vadd.f32 v4, v2;
	v0 =	vadd.f32 v0, v7  }
0x90: {  	v1 =	vadd.f32 v3, v1  }
0x91: {  	v0 =	vadd.f32 v0, v2  }
0x92: {  	[tilespmem:s10+$0xD070] =	vst v1  }
0x93: {  	s30 =	simm.s32 $0x0;
	[tilespmem:s10+$0xD080] =	vst v0  }
0x94: {  	v0 =	vld [tilespmem:s30+$0x3940]  }
0x95: {  	v1 =	vld [tilespmem:s30+$0x38D0]  }
0x96: {  	v2 =	vld [tilespmem:s30+$0x38E0]  }
0x97: {  	v5 =	vld [tilespmem:s30+$0x38F0]  }
0x98: {  	v6 =	vld [tilespmem:s30+$0x3900]  }
0x99: {  	v10 =	vimm.f32 $0.0e+00;
	v3 =	vimm.f32 $0.0e+00;
	v7 =	vld [tilespmem:s30+$0x3910]  }
0x9a: {  	v9 =	vimm.f32 $0.0e+00;
	v4 =	vimm.f32 $0.0e+00;
	v11 =	vld [tilespmem:s30+$0x3920];
	v0 =	vadd.f32 v0, v3  }
0x9b: {  	s13 =	simm.s32 $0x400;
	s2 =	simm.s32 $0x80;
	v8 =	vimm.f32 $0.0e+00;
	v12 =	vld [tilespmem:s30+$0x3930];
	v1 =	vadd.f32 v1, v3;
	v2 =	vadd.f32 v2, v3  }
.LBB2_7:
0x9c: {  	p0 =	sne.s32 s13, $0x6200;
	v13 =	vld [tilespmem:s2+$0x3940];
	v3 =	vadd.f32 v5, v3  }
0x9d: {  	v14 =	vld [tilespmem:s2+$0x38D0];
	v4 =	vadd.f32 v6, v4  }
0x9e: {  	v15 =	vld [tilespmem:s2+$0x38E0];
	v10 =	vadd.f32 v7, v10  }
.Ltmp2:
0x9f: {  	v5 =	vld [tilespmem:s2+$0x38F0];
	v8 =	vadd.f32 v11, v8;
	(pc) =	sbr.rel @p0 .LBB2_7-.Ltmp2, $4  }
0xa0: {  	v6 =	vld [tilespmem:s2+$0x3900];
	v9 =	vadd.f32 v12, v9  }
0xa1: {  	v7 =	vld [tilespmem:s2+$0x3910];
	v0 =	vadd.f32 v13, v0  }
0xa2: {  	v1 =	vadd.f32 v14, v1;
	v11 =	vld [tilespmem:s2+$0x3920]  }
0xa3: {  	v2 =	vadd.f32 v15, v2;
	v12 =	vld [tilespmem:s2+$0x3930];
	s2 =	sshra.s32 s13, $0x2;
	s13 =	sadd.s32 $0x200, s13  }
0xa4: {  	v13 =	vld [tilespmem:s2+$0x3940]  }
0xa5: {  	v14 =	vld [tilespmem:s2+$0x38D0]  }
0xa6: {  	v15 =	vld [tilespmem:s2+$0x38E0]  }
0xa7: {  	v16 =	vld [tilespmem:s2+$0x38F0]  }
0xa8: {  	v17 =	vld [tilespmem:s2+$0x3900]  }
0xa9: {  	v18 =	vld [tilespmem:s2+$0x3910]  }
0xaa: {  	v3 =	vadd.f32 v5, v3;
	v5 =	vld [tilespmem:s2+$0x3930]  }
0xab: {  	v4 =	vadd.f32 v6, v4;
	v6 =	vadd.f32 v7, v10;
	v7 =	vld [tilespmem:s2+$0x3920]  }
0xac: {  	v8 =	vadd.f32 v11, v8;
	v9 =	vadd.f32 v12, v9  }
0xad: {  	v0 =	vadd.f32 v13, v0;
	v1 =	vadd.f32 v14, v1  }
0xae: {  	v2 =	vadd.f32 v15, v2;
	v3 =	vadd.f32 v16, v3  }
0xaf: {  	v6 =	vadd.f32 v18, v6;
	v5 =	vadd.f32 v5, v9  }
0xb0: {  	v4 =	vadd.f32 v17, v4;
	v7 =	vadd.f32 v7, v8  }
0xb1: {  	v1 =	vadd.f32 v3, v1;
	v3 =	vadd.f32 v5, v6  }
0xb2: {  	v2 =	vadd.f32 v4, v2;
	v0 =	vadd.f32 v0, v7  }
0xb3: {  	v1 =	vadd.f32 v3, v1  }
0xb4: {  	v0 =	vadd.f32 v0, v2  }
0xb5: {  	[tilespmem:s10+$0xD090] =	vst v1  }
0xb6: {  	s30 =	simm.s32 $0x0;
	[tilespmem:s10+$0xD0A0] =	vst v0  }
0xb7: {  	v0 =	vld [tilespmem:s30+$0x5280]  }
0xb8: {  	v1 =	vld [tilespmem:s30+$0x5210]  }
0xb9: {  	v2 =	vld [tilespmem:s30+$0x5220]  }
0xba: {  	v5 =	vld [tilespmem:s30+$0x5230]  }
0xbb: {  	v6 =	vld [tilespmem:s30+$0x5240]  }
0xbc: {  	v10 =	vimm.f32 $0.0e+00;
	v3 =	vimm.f32 $0.0e+00;
	v7 =	vld [tilespmem:s30+$0x5250]  }
0xbd: {  	v9 =	vimm.f32 $0.0e+00;
	v4 =	vimm.f32 $0.0e+00;
	v11 =	vld [tilespmem:s30+$0x5260];
	v0 =	vadd.f32 v0, v3  }
0xbe: {  	s13 =	simm.s32 $0x400;
	s2 =	simm.s32 $0x80;
	v8 =	vimm.f32 $0.0e+00;
	v12 =	vld [tilespmem:s30+$0x5270];
	v1 =	vadd.f32 v1, v3;
	v2 =	vadd.f32 v2, v3  }
.LBB2_9:
0xbf: {  	p0 =	sne.s32 s13, $0x6200;
	v13 =	vld [tilespmem:s2+$0x5280];
	v3 =	vadd.f32 v5, v3  }
0xc0: {  	v14 =	vld [tilespmem:s2+$0x5210];
	v4 =	vadd.f32 v6, v4  }
0xc1: {  	v15 =	vld [tilespmem:s2+$0x5220];
	v10 =	vadd.f32 v7, v10  }
.Ltmp3:
0xc2: {  	v5 =	vld [tilespmem:s2+$0x5230];
	v8 =	vadd.f32 v11, v8;
	(pc) =	sbr.rel @p0 .LBB2_9-.Ltmp3, $4  }
0xc3: {  	v6 =	vld [tilespmem:s2+$0x5240];
	v9 =	vadd.f32 v12, v9  }
0xc4: {  	v7 =	vld [tilespmem:s2+$0x5250];
	v0 =	vadd.f32 v13, v0  }
0xc5: {  	v1 =	vadd.f32 v14, v1;
	v11 =	vld [tilespmem:s2+$0x5260]  }
0xc6: {  	v2 =	vadd.f32 v15, v2;
	v12 =	vld [tilespmem:s2+$0x5270];
	s2 =	sshra.s32 s13, $0x2;
	s13 =	sadd.s32 $0x200, s13  }
0xc7: {  	v13 =	vld [tilespmem:s2+$0x5280]  }
0xc8: {  	v14 =	vld [tilespmem:s2+$0x5210]  }
0xc9: {  	v15 =	vld [tilespmem:s2+$0x5220]  }
0xca: {  	v16 =	vld [tilespmem:s2+$0x5230]  }
0xcb: {  	v17 =	vld [tilespmem:s2+$0x5240]  }
0xcc: {  	v18 =	vld [tilespmem:s2+$0x5250]  }
0xcd: {  	v3 =	vadd.f32 v5, v3;
	v5 =	vld [tilespmem:s2+$0x5270]  }
0xce: {  	v4 =	vadd.f32 v6, v4;
	v6 =	vadd.f32 v7, v10;
	v7 =	vld [tilespmem:s2+$0x5260]  }
0xcf: {  	v8 =	vadd.f32 v11, v8;
	v9 =	vadd.f32 v12, v9  }
0xd0: {  	v0 =	vadd.f32 v13, v0;
	v1 =	vadd.f32 v14, v1  }
0xd1: {  	v2 =	vadd.f32 v15, v2;
	v3 =	vadd.f32 v16, v3  }
0xd2: {  	v6 =	vadd.f32 v18, v6;
	v5 =	vadd.f32 v5, v9  }
0xd3: {  	v4 =	vadd.f32 v17, v4;
	v7 =	vadd.f32 v7, v8  }
0xd4: {  	v1 =	vadd.f32 v3, v1;
	v3 =	vadd.f32 v5, v6  }
0xd5: {  	v2 =	vadd.f32 v4, v2;
	v0 =	vadd.f32 v0, v7  }
0xd6: {  	v1 =	vadd.f32 v3, v1  }
0xd7: {  	v0 =	vadd.f32 v0, v2  }
0xd8: {  	[tilespmem:s10+$0xD0B0] =	vst v1  }
0xd9: {  	[tilespmem:s10+$0xD0C0] =	vst v0  }
0xda: {  	_ =	swait.ge [sflag:s6], $0x1000  }
0xdb: {  	[sflag:s6] =	ssyncset.done $0x0  }
0xdc: {  	[sflag:s6] =	ssyncadd.s32 $0xFFFFF000  }
0xdd: {  	_ =	swait.ge [sflag:s6], $0x1000  }
0xde: {  	[sflag:s6] =	ssyncset.done $0x0  }
0xdf: {  	[sflag:s6] =	ssyncadd.s32 $0xFFFFF000  }
0xe0: {  	_ =	swait.ge [sflag:s6], $0x1000  }
0xe1: {  	[sflag:s6] =	ssyncset.done $0x0  }
0xe2: {  	[sflag:s6] =	ssyncadd.s32 $0xFFFFF000  }
0xe3: {  	_ =	swait.ge [sflag:s6], $0x1000  }
0xe4: {  	[sflag:s6] =	ssyncset.done $0x0  }
0xe5: {  	[sflag:s6] =	ssyncadd.s32 $0xFFFFF000  }
0xe6: {  	_ =	swait.ge [sflag:s6], $0x1000  }
0xe7: {  	[sflag:s6] =	ssyncset.done $0x0  }
0xe8: {  	s5 =	smin.u32 s5, $0x7C;
	[sflag:s6] =	ssyncadd.s32 $0xFFFFF000  }
0xe9: {  	s2 =	sshll.u32 s5, $0x2;
	_ =	swait.ge [sflag:s6], $0x1000  }
0xea: {  	s2 =	sadd.s32 s2, s8;
	[sflag:s6] =	ssyncset.done $0x0  }
0xeb: {  	s2 =	smul.u32 $0xCA, s2;
	[sflag:s6] =	ssyncadd.s32 $0xFFFFF000  }
0xec: {  	_ =	swait.ge [sflag:s6], $0x500  }
0xed: {  	s2 =	sshrl.u32 s2, $0x3;
	[sflag:s6] =	ssyncset.done $0x0  }
0xee: {  	s13 =	simm.s32 $0x0;
	s2 =	sadd.s32 s3, s2;
	[sflag:s6] =	ssyncadd.s32 $0xFFFFFB00  }
0xef: {  	[tilespmem:s26], [sflag:$0x4] =	stream.linear.gather [hbm4b:s2+s13], $0x328, $0x38;
	[tilespmem:$0x11050] =	vst v63  }
0xf0: {  	_ =	swait.ge [sflag:s11], $0x328  }
0xf1: {  	[sflag:s11] =	ssyncset.done $0x0  }
0xf2: {  	s30 =	simm.s32 $0x650;
	[sflag:s11] =	ssyncadd.s32 $0xFFFFFCD8  }
0xf3: {  	[tilespmem:s30], [sflag:$0x1] =	stream.indirect.gather [hbm4b:s4+s12], $0x20, s13, s12, $0xb8;
	[tilespmem:$0x11050] =	vst v63  }
0xf4: {  	_ = 	snop  }
0xf5: {  	[tilespmem:s14], [sflag:$0x1] =	stream.indirect.gather [hbm4b:s4+s12], $0x20, s12, s12, $0xb8;
	[tilespmem:$0x11050] =	vst v63  }
0xf6: {  	_ = 	snop  }
0xf7: {  	[tilespmem:s16], [sflag:$0x1] =	stream.indirect.gather [hbm4b:s4+s12], $0x20, s15, s12, $0xb8;
	[tilespmem:$0x11050] =	vst v63  }
0xf8: {  	_ = 	snop  }
0xf9: {  	[tilespmem:s18], [sflag:$0x1] =	stream.indirect.gather [hbm4b:s4+s12], $0x20, s17, s12, $0xb8;
	[tilespmem:$0x11050] =	vst v63  }
0xfa: {  	_ = 	snop  }
0xfb: {  	[tilespmem:s20], [sflag:$0x1] =	stream.indirect.gather [hbm4b:s4+s12], $0x20, s19, s12, $0xb8;
	[tilespmem:$0x11050] =	vst v63  }
0xfc: {  	_ = 	snop  }
0xfd: {  	[tilespmem:s22], [sflag:$0x1] =	stream.indirect.gather [hbm4b:s4+s12], $0x20, s21, s12, $0xb8;
	[tilespmem:$0x11050] =	vst v63  }
0xfe: {  	s13 =	simm.s32 $0x0  }
0xff: {  	[tilespmem:s25], [sflag:$0x1] =	stream.indirect.gather [hbm4b:s4+s23], $0x20, s24, s23, $0xb8;
	[tilespmem:$0x11050] =	vst v63  }
0x100: {  	v0 =	vld [tilespmem:s13+$0x6BC0]  }
0x101: {  	v1 =	vld [tilespmem:s13+$0x6B50]  }
0x102: {  	v2 =	vld [tilespmem:s13+$0x6B60]  }
0x103: {  	v5 =	vld [tilespmem:s13+$0x6B70]  }
0x104: {  	v6 =	vld [tilespmem:s13+$0x6B80]  }
0x105: {  	v10 =	vimm.f32 $0.0e+00;
	v3 =	vimm.f32 $0.0e+00;
	v7 =	vld [tilespmem:s13+$0x6B90]  }
0x106: {  	v9 =	vimm.f32 $0.0e+00;
	v4 =	vimm.f32 $0.0e+00;
	v11 =	vld [tilespmem:s13+$0x6BA0];
	v0 =	vadd.f32 v0, v3  }
0x107: {  	s5 =	simm.s32 $0x400;
	v8 =	vimm.f32 $0.0e+00;
	s2 =	simm.s32 $0x80;
	v12 =	vld [tilespmem:s13+$0x6BB0];
	v1 =	vadd.f32 v1, v3;
	v2 =	vadd.f32 v2, v3  }
.LBB2_11:
0x108: {  	p0 =	sne.s32 s5, $0x6200;
	v13 =	vld [tilespmem:s2+$0x6BC0];
	v3 =	vadd.f32 v5, v3  }
0x109: {  	v14 =	vld [tilespmem:s2+$0x6B50];
	v4 =	vadd.f32 v6, v4  }
0x10a: {  	v15 =	vld [tilespmem:s2+$0x6B60];
	v10 =	vadd.f32 v7, v10  }
.Ltmp4:
0x10b: {  	v5 =	vld [tilespmem:s2+$0x6B70];
	v8 =	vadd.f32 v11, v8;
	(pc) =	sbr.rel @p0 .LBB2_11-.Ltmp4, $4  }
0x10c: {  	v6 =	vld [tilespmem:s2+$0x6B80];
	v9 =	vadd.f32 v12, v9  }
0x10d: {  	v7 =	vld [tilespmem:s2+$0x6B90];
	v0 =	vadd.f32 v13, v0  }
0x10e: {  	v1 =	vadd.f32 v14, v1;
	v11 =	vld [tilespmem:s2+$0x6BA0]  }
0x10f: {  	v2 =	vadd.f32 v15, v2;
	v12 =	vld [tilespmem:s2+$0x6BB0];
	s2 =	sshra.s32 s5, $0x2;
	s5 =	sadd.s32 $0x200, s5  }
0x110: {  	v13 =	vld [tilespmem:s2+$0x6BC0]  }
0x111: {  	v14 =	vld [tilespmem:s2+$0x6B50]  }
0x112: {  	v15 =	vld [tilespmem:s2+$0x6B60]  }
0x113: {  	v16 =	vld [tilespmem:s2+$0x6B70]  }
0x114: {  	v17 =	vld [tilespmem:s2+$0x6B80]  }
0x115: {  	v18 =	vld [tilespmem:s2+$0x6B90]  }
0x116: {  	v3 =	vadd.f32 v5, v3;
	v5 =	vld [tilespmem:s2+$0x6BB0]  }
0x117: {  	v4 =	vadd.f32 v6, v4;
	v6 =	vadd.f32 v7, v10;
	v7 =	vld [tilespmem:s2+$0x6BA0]  }
0x118: {  	v8 =	vadd.f32 v11, v8;
	v9 =	vadd.f32 v12, v9  }
0x119: {  	v0 =	vadd.f32 v13, v0;
	v1 =	vadd.f32 v14, v1  }
0x11a: {  	v2 =	vadd.f32 v15, v2;
	v3 =	vadd.f32 v16, v3  }
0x11b: {  	v6 =	vadd.f32 v18, v6;
	v5 =	vadd.f32 v5, v9  }
0x11c: {  	v4 =	vadd.f32 v17, v4;
	v7 =	vadd.f32 v7, v8  }
0x11d: {  	v1 =	vadd.f32 v3, v1;
	v3 =	vadd.f32 v5, v6  }
0x11e: {  	v2 =	vadd.f32 v4, v2;
	v0 =	vadd.f32 v0, v7  }
0x11f: {  	v1 =	vadd.f32 v3, v1  }
0x120: {  	v0 =	vadd.f32 v0, v2  }
0x121: {  	[tilespmem:s10+$0xD0D0] =	vst v1  }
0x122: {  	s13 =	simm.s32 $0x0;
	[tilespmem:s10+$0xD0E0] =	vst v0  }
0x123: {  	v0 =	vld [tilespmem:s13+$0x8500]  }
0x124: {  	v1 =	vld [tilespmem:s13+$0x8490]  }
0x125: {  	v2 =	vld [tilespmem:s13+$0x84A0]  }
0x126: {  	v5 =	vld [tilespmem:s13+$0x84B0]  }
0x127: {  	v6 =	vld [tilespmem:s13+$0x84C0]  }
0x128: {  	v10 =	vimm.f32 $0.0e+00;
	v3 =	vimm.f32 $0.0e+00;
	v7 =	vld [tilespmem:s13+$0x84D0]  }
0x129: {  	v9 =	vimm.f32 $0.0e+00;
	v4 =	vimm.f32 $0.0e+00;
	v11 =	vld [tilespmem:s13+$0x84E0];
	v0 =	vadd.f32 v0, v3  }
0x12a: {  	s5 =	simm.s32 $0x400;
	s2 =	simm.s32 $0x80;
	v8 =	vimm.f32 $0.0e+00;
	v12 =	vld [tilespmem:s13+$0x84F0];
	v1 =	vadd.f32 v1, v3;
	v2 =	vadd.f32 v2, v3  }
.LBB2_13:
0x12b: {  	p0 =	sne.s32 s5, $0x6200;
	v13 =	vld [tilespmem:s2+$0x8500];
	v3 =	vadd.f32 v5, v3  }
0x12c: {  	v14 =	vld [tilespmem:s2+$0x8490];
	v4 =	vadd.f32 v6, v4  }
0x12d: {  	v15 =	vld [tilespmem:s2+$0x84A0];
	v10 =	vadd.f32 v7, v10  }
.Ltmp5:
0x12e: {  	v5 =	vld [tilespmem:s2+$0x84B0];
	v8 =	vadd.f32 v11, v8;
	(pc) =	sbr.rel @p0 .LBB2_13-.Ltmp5, $4  }
0x12f: {  	v6 =	vld [tilespmem:s2+$0x84C0];
	v9 =	vadd.f32 v12, v9  }
0x130: {  	v7 =	vld [tilespmem:s2+$0x84D0];
	v0 =	vadd.f32 v13, v0  }
0x131: {  	v1 =	vadd.f32 v14, v1;
	v11 =	vld [tilespmem:s2+$0x84E0]  }
0x132: {  	v2 =	vadd.f32 v15, v2;
	v12 =	vld [tilespmem:s2+$0x84F0];
	s2 =	sshra.s32 s5, $0x2;
	s5 =	sadd.s32 $0x200, s5  }
0x133: {  	v13 =	vld [tilespmem:s2+$0x8500]  }
0x134: {  	v14 =	vld [tilespmem:s2+$0x8490]  }
0x135: {  	v15 =	vld [tilespmem:s2+$0x84A0]  }
0x136: {  	v16 =	vld [tilespmem:s2+$0x84B0]  }
0x137: {  	v17 =	vld [tilespmem:s2+$0x84C0]  }
0x138: {  	v18 =	vld [tilespmem:s2+$0x84D0]  }
0x139: {  	v3 =	vadd.f32 v5, v3;
	v5 =	vld [tilespmem:s2+$0x84F0]  }
0x13a: {  	v4 =	vadd.f32 v6, v4;
	v6 =	vadd.f32 v7, v10;
	v7 =	vld [tilespmem:s2+$0x84E0]  }
0x13b: {  	v8 =	vadd.f32 v11, v8;
	v9 =	vadd.f32 v12, v9  }
0x13c: {  	v0 =	vadd.f32 v13, v0;
	v1 =	vadd.f32 v14, v1  }
0x13d: {  	v2 =	vadd.f32 v15, v2;
	v3 =	vadd.f32 v16, v3  }
0x13e: {  	v6 =	vadd.f32 v18, v6;
	v5 =	vadd.f32 v5, v9  }
0x13f: {  	v4 =	vadd.f32 v17, v4;
	v7 =	vadd.f32 v7, v8  }
0x140: {  	v1 =	vadd.f32 v3, v1;
	v3 =	vadd.f32 v5, v6  }
0x141: {  	v2 =	vadd.f32 v4, v2;
	v0 =	vadd.f32 v0, v7  }
0x142: {  	v1 =	vadd.f32 v3, v1  }
0x143: {  	v0 =	vadd.f32 v0, v2  }
0x144: {  	[tilespmem:s10+$0xD0F0] =	vst v1  }
0x145: {  	s13 =	simm.s32 $0x0;
	[tilespmem:s10+$0xD100] =	vst v0  }
0x146: {  	v0 =	vld [tilespmem:s13+$0x9E40]  }
0x147: {  	v1 =	vld [tilespmem:s13+$0x9DD0]  }
0x148: {  	v2 =	vld [tilespmem:s13+$0x9DE0]  }
0x149: {  	v5 =	vld [tilespmem:s13+$0x9DF0]  }
0x14a: {  	v6 =	vld [tilespmem:s13+$0x9E00]  }
0x14b: {  	v10 =	vimm.f32 $0.0e+00;
	v3 =	vimm.f32 $0.0e+00;
	v7 =	vld [tilespmem:s13+$0x9E10]  }
0x14c: {  	v9 =	vimm.f32 $0.0e+00;
	v4 =	vimm.f32 $0.0e+00;
	v11 =	vld [tilespmem:s13+$0x9E20];
	v0 =	vadd.f32 v0, v3  }
0x14d: {  	s5 =	simm.s32 $0x400;
	s2 =	simm.s32 $0x80;
	v8 =	vimm.f32 $0.0e+00;
	v12 =	vld [tilespmem:s13+$0x9E30];
	v1 =	vadd.f32 v1, v3;
	v2 =	vadd.f32 v2, v3  }
.LBB2_15:
0x14e: {  	p0 =	sne.s32 s5, $0x6200;
	v13 =	vld [tilespmem:s2+$0x9E40];
	v3 =	vadd.f32 v5, v3  }
0x14f: {  	v14 =	vld [tilespmem:s2+$0x9DD0];
	v4 =	vadd.f32 v6, v4  }
0x150: {  	v15 =	vld [tilespmem:s2+$0x9DE0];
	v10 =	vadd.f32 v7, v10  }
.Ltmp6:
0x151: {  	v5 =	vld [tilespmem:s2+$0x9DF0];
	v8 =	vadd.f32 v11, v8;
	(pc) =	sbr.rel @p0 .LBB2_15-.Ltmp6, $4  }
0x152: {  	v6 =	vld [tilespmem:s2+$0x9E00];
	v9 =	vadd.f32 v12, v9  }
0x153: {  	v7 =	vld [tilespmem:s2+$0x9E10];
	v0 =	vadd.f32 v13, v0  }
0x154: {  	v1 =	vadd.f32 v14, v1;
	v11 =	vld [tilespmem:s2+$0x9E20]  }
0x155: {  	v2 =	vadd.f32 v15, v2;
	v12 =	vld [tilespmem:s2+$0x9E30];
	s2 =	sshra.s32 s5, $0x2;
	s5 =	sadd.s32 $0x200, s5  }
0x156: {  	v13 =	vld [tilespmem:s2+$0x9E40]  }
0x157: {  	v14 =	vld [tilespmem:s2+$0x9DD0]  }
0x158: {  	v15 =	vld [tilespmem:s2+$0x9DE0]  }
0x159: {  	v16 =	vld [tilespmem:s2+$0x9DF0]  }
0x15a: {  	v17 =	vld [tilespmem:s2+$0x9E00]  }
0x15b: {  	v18 =	vld [tilespmem:s2+$0x9E10]  }
0x15c: {  	v3 =	vadd.f32 v5, v3;
	v5 =	vld [tilespmem:s2+$0x9E30]  }
0x15d: {  	v4 =	vadd.f32 v6, v4;
	v6 =	vadd.f32 v7, v10;
	v7 =	vld [tilespmem:s2+$0x9E20]  }
0x15e: {  	v8 =	vadd.f32 v11, v8;
	v9 =	vadd.f32 v12, v9  }
0x15f: {  	v0 =	vadd.f32 v13, v0;
	v1 =	vadd.f32 v14, v1  }
0x160: {  	v2 =	vadd.f32 v15, v2;
	v3 =	vadd.f32 v16, v3  }
0x161: {  	v6 =	vadd.f32 v18, v6;
	v5 =	vadd.f32 v5, v9  }
0x162: {  	v4 =	vadd.f32 v17, v4;
	v7 =	vadd.f32 v7, v8  }
0x163: {  	v1 =	vadd.f32 v3, v1;
	v3 =	vadd.f32 v5, v6  }
0x164: {  	v2 =	vadd.f32 v4, v2;
	v0 =	vadd.f32 v0, v7  }
0x165: {  	v1 =	vadd.f32 v3, v1  }
0x166: {  	v0 =	vadd.f32 v0, v2  }
0x167: {  	[tilespmem:s10+$0xD110] =	vst v1  }
0x168: {  	s13 =	simm.s32 $0x0;
	[tilespmem:s10+$0xD120] =	vst v0  }
0x169: {  	v0 =	vld [tilespmem:s13+$0xB780]  }
0x16a: {  	v1 =	vld [tilespmem:s13+$0xB710]  }
0x16b: {  	v2 =	vld [tilespmem:s13+$0xB720]  }
0x16c: {  	v5 =	vld [tilespmem:s13+$0xB730]  }
0x16d: {  	v6 =	vld [tilespmem:s13+$0xB740]  }
0x16e: {  	v10 =	vimm.f32 $0.0e+00;
	v3 =	vimm.f32 $0.0e+00;
	v7 =	vld [tilespmem:s13+$0xB750]  }
0x16f: {  	v9 =	vimm.f32 $0.0e+00;
	v4 =	vimm.f32 $0.0e+00;
	v11 =	vld [tilespmem:s13+$0xB760];
	v0 =	vadd.f32 v0, v3  }
0x170: {  	s5 =	simm.s32 $0x400;
	s2 =	simm.s32 $0x80;
	v8 =	vimm.f32 $0.0e+00;
	v12 =	vld [tilespmem:s13+$0xB770];
	v1 =	vadd.f32 v1, v3;
	v2 =	vadd.f32 v2, v3  }
.LBB2_17:
0x171: {  	p0 =	sne.s32 s5, $0x6200;
	v13 =	vld [tilespmem:s2+$0xB780];
	v3 =	vadd.f32 v5, v3  }
0x172: {  	v14 =	vld [tilespmem:s2+$0xB710];
	v4 =	vadd.f32 v6, v4  }
0x173: {  	v15 =	vld [tilespmem:s2+$0xB720];
	v10 =	vadd.f32 v7, v10  }
.Ltmp7:
0x174: {  	v5 =	vld [tilespmem:s2+$0xB730];
	v8 =	vadd.f32 v11, v8;
	(pc) =	sbr.rel @p0 .LBB2_17-.Ltmp7, $4  }
0x175: {  	v6 =	vld [tilespmem:s2+$0xB740];
	v9 =	vadd.f32 v12, v9  }
0x176: {  	v7 =	vld [tilespmem:s2+$0xB750];
	v0 =	vadd.f32 v13, v0  }
0x177: {  	v1 =	vadd.f32 v14, v1;
	v11 =	vld [tilespmem:s2+$0xB760]  }
0x178: {  	v2 =	vadd.f32 v15, v2;
	v12 =	vld [tilespmem:s2+$0xB770];
	s2 =	sshra.s32 s5, $0x2;
	s5 =	sadd.s32 $0x200, s5  }
0x179: {  	v13 =	vld [tilespmem:s2+$0xB780]  }
0x17a: {  	v14 =	vld [tilespmem:s2+$0xB710]  }
0x17b: {  	v15 =	vld [tilespmem:s2+$0xB720]  }
0x17c: {  	v16 =	vld [tilespmem:s2+$0xB730]  }
0x17d: {  	v17 =	vld [tilespmem:s2+$0xB740]  }
0x17e: {  	v18 =	vld [tilespmem:s2+$0xB750]  }
0x17f: {  	v3 =	vadd.f32 v5, v3;
	v62 =	vld [tilespmem:s2+$0xB760]  }
0x180: {  	v60 =	vld [tilespmem:s2+$0xB770];
	v4 =	vadd.f32 v6, v4;
	v61 =	vadd.f32 v7, v10  }
0x181: {  	v8 =	vadd.f32 v11, v8;
	v9 =	vadd.f32 v12, v9  }
0x182: {  	v0 =	vadd.f32 v13, v0;
	v1 =	vadd.f32 v14, v1  }
0x183: {  	v2 =	vadd.f32 v15, v2;
	v3 =	vadd.f32 v16, v3  }
0x184: {  	v4 =	vadd.f32 v17, v4;
	v7 =	vadd.f32 v62, v8  }
0x185: {  	s9 =	sadd.s32 $0x1, s9;
	v6 =	vadd.f32 v18, v61;
	v5 =	vadd.f32 v60, v9  }
0x186: {  	p0 =	sne.s32 s9, $0x40;
	v2 =	vadd.f32 v4, v2;
	v0 =	vadd.f32 v0, v7  }
.Ltmp8:
0x187: {  	v1 =	vadd.f32 v3, v1;
	v63 =	vadd.f32 v5, v6;
	(pc) =	sbr.rel @p0 .LBB2_2-.Ltmp8, $4  }
0x188: {  	v0 =	vadd.f32 v0, v2  }
0x189: {  	v1 =	vadd.f32 v63, v1  }
0x18a: {  	[tilespmem:s10+$0xD140] =	vst v0  }
0x18b: {  	[tilespmem:s10+$0xD130] =	vst v1  }
0x18c: {  	_ =	swait.ge [sflag:s28], $0x1000  }
0x18d: {  	[sflag:s28] =	ssyncset.done $0x0  }
0x18e: {  	[sflag:s28] =	ssyncadd.s32 $0xFFFFF000  }
0x18f: {  	_ =	swait.ge [sflag:s28], $0x1000  }
0x190: {  	[sflag:s28] =	ssyncset.done $0x0  }
0x191: {  	[sflag:s28] =	ssyncadd.s32 $0xFFFFF000  }
0x192: {  	_ =	swait.ge [sflag:s28], $0x1000  }
0x193: {  	[sflag:s28] =	ssyncset.done $0x0  }
0x194: {  	[sflag:s28] =	ssyncadd.s32 $0xFFFFF000  }
0x195: {  	_ =	swait.ge [sflag:s28], $0x1000  }
0x196: {  	[sflag:s28] =	ssyncset.done $0x0  }
0x197: {  	[sflag:s28] =	ssyncadd.s32 $0xFFFFF000  }
0x198: {  	_ =	swait.ge [sflag:s28], $0x1000  }
0x199: {  	[sflag:s28] =	ssyncset.done $0x0  }
0x19a: {  	[sflag:s28] =	ssyncadd.s32 $0xFFFFF000  }
0x19b: {  	_ =	swait.ge [sflag:s28], $0x1000  }
0x19c: {  	[sflag:s28] =	ssyncset.done $0x0  }
0x19d: {  	[sflag:s28] =	ssyncadd.s32 $0xFFFFF000  }
0x19e: {  	_ =	swait.ge [sflag:s28], $0x500  }
0x19f: {  	[sflag:s28] =	ssyncset.done $0x0  }
0x1a0: {  	[sflag:s28] =	ssyncadd.s32 $0xFFFFFB00  }
0x1a1: {  	_ =	swait.ge [sflag:s29], $0x328  }
0x1a2: {  	s9 =	simm.s32 $0x0;
	s5 =	simm.s32 $0xD050;
	[sflag:s29] =	ssyncset.done $0x0  }
0x1a3: {  	s13 =	simm.s32 $0x5;
	s2 =	rddreg [dreg:$0x4];
	[sflag:s29] =	ssyncadd.s32 $0xFFFFFCD8  }
0x1a4: {  	[hbm4b:s2+s9] =	stream.linear.scatter [tilespmem:s5], [sflag:$0x5], $0x4000, $0x38;
	[tilespmem:$0x11050] =	vst v63  }
0x1a5: {  	_ =	swait.ge [sflag:s13], $0x4000  }
0x1a6: {  	s10 =	rddreg [dreg:$0x6]  }
0x1a7: {  	s30 =	rddreg [dreg:$0x5];
	s10 =	sadd.s32 $0x1, s10  }
0x1a8: {  	p0 =	sne.s32 s10, s30  }
.Ltmp9:
0x1a9: {  	_ = 	snop;
	(pc) =	sbr.rel @p0 .LBB2_1-.Ltmp9, $3  }
0x1aa: {  	_ =	sdelay $0x1  }
0x1ab: {  	[sflag:s13] =	ssyncset.done $0x0  }
0x1ac: {  	[sflag:s13] =	ssyncadd.s32 $0xFFFFC000  }
0x1ad: {  	_ =	sfence.sel $0x180000  }
0x1ae: {  	[bflag:$0x0] =	sbarrier.arrive $0xFFFF  }
0x1af: {  	_ =	strace $0x90000047  }
0x1b0: {  	s0 =	stileid.u32;
	[bflag:$0x2] =	sbarrier.arrive $0xFFFF  }
0x1b1: {  	p0 =	sne.s32 s0, $0x0;
	s0 =	rddreg [dreg:$0x1]  }
0x1b2: {  	s0 =	sadd.s32 @!p0 $0x100000, s0  }
0x1b3: {  	[sflag:s0] =	ssyncadd.tile.s32 @!p0 $0x1;
	_ =	shalt  }
.Lfunc_end2:
_tile_overlayer_lowered:
.L_overlay_start_2:
0x1b4: {  	(tag) =	ssettag $0x2  }
0x1b5: {  	s0 =	rddreg [dreg:$0x0];
	s2 =	stileid.u32  }
0x1b6: {  	s1 =	rddreg [dreg:$0x1];
	p0 =	sne.s32 s2, $0x0  }
0x1b7: {  	s3 =	rddreg [dreg:$0x2];
	[bflag:$0x3] =	sbarrier.arrive $0xFFFF;
	s2 =	simm.s32 @!p0 $0x1C05  }
0x1b8: {  	[timem:s3], [sflag:s2] =	dma.local @!p0 [hbm:s0], s1  }
0x1b9: {  	s0 =	simm.s32 @!p0 $0x5  }
0x1ba: {  	_ =	swait.ge @!p0 [sflag:s0], s1  }
0x1bb: {  	s1 =	ssub.s32 @!p0 $0x0, s1;
	[sflag:s0] =	ssyncset.done @!p0 $0x0  }
0x1bc: {  	[sflag:s0] =	ssyncadd.s32 @!p0 s1  }
0x1bd: {  	[bflag:$0x3] =	sbarrier.arrive $0xFFFF  }
0x1be: {  	_ =	shalt  }

</sc_bundles>
